<compile_context>
chip_gen: v7x
topology: tpu7x:2x2x1
jax: 0.10.2.dev20260603
libtpu: 0.0.44.dev20260713+nightly
codegen_flags: <defaults>
</compile_context>

<pallas_src>
import functools

import jax
import jax.numpy as jnp
from jax import lax
from jax.experimental import pallas as pl
from jax.experimental.pallas import tpu as pltpu
from jax.experimental.pallas import tpu_sc as plsc

B = 16384
K = 8192
D = 32
BT = 1024
BT2 = 2048

_NC = 2
_NS = 16
_NW = _NC * _NS
_BPW = B // _NW



SB = 256
LG = 128


def _split3(x):
    hi = x.astype(jnp.bfloat16)
    r = x - hi.astype(jnp.float32)
    lo = r.astype(jnp.bfloat16)
    lo2 = (r - lo.astype(jnp.float32)).astype(jnp.bfloat16)
    return hi, lo, lo2


def _top2_block(t_ref, c_ref, a1_ref, a2_ref, rhs_s):
    t = t_ref[...]
    inf = jnp.float32(jnp.inf)
    bigf = jnp.float32(65536.0)

    @pl.when(pl.program_id(0) == 0)
    def _build_rhs():
        cc = c_ref[...]
        cn = jnp.sum(cc * cc, axis=1, keepdims=True)
        cc_aug = jnp.concatenate([cc, cn], axis=1)
        c_hi, c_lo, c_lo2 = _split3(cc_aug)
        rhs_s[...] = jnp.concatenate(
            [c_hi, c_hi, c_hi, c_lo, c_lo2, c_lo], axis=1)

    t_aug = jnp.concatenate(
        [-2.0 * t, jnp.ones((BT, 1), jnp.float32)], axis=1)
    t_hi, t_lo, t_lo2 = _split3(t_aug)
    lhs = jnp.concatenate(
        [t_hi, t_lo, t_lo2, t_hi, t_hi, t_lo], axis=1)
    rhs = rhs_s[...]

    lane = lax.broadcasted_iota(jnp.int32, (SB, LG), 1).astype(jnp.float32)

    for sb in range(BT // SB):
        s = lax.dot_general(
            lhs[sb * SB:(sb + 1) * SB, :], rhs,
            (((1,), (1,)), ((), ())),
            preferred_element_type=jnp.float32,
        )
        m1 = s[:, 0:LG]
        i1 = jnp.zeros((SB, LG), jnp.float32)
        for g in range(1, K // LG):
            v = s[:, g * LG:(g + 1) * LG]
            b1 = v < m1
            i1 = jnp.where(b1, jnp.float32(g), i1)
            m1 = jnp.minimum(v, m1)
        flat1 = i1 * jnp.float32(LG) + lane
        gm1 = jnp.min(m1, axis=1, keepdims=True)
        gf1 = jnp.min(jnp.where(m1 == gm1, flat1, bigf), axis=1, keepdims=True)
        is_w = flat1 == gf1
        cm = jnp.where(is_w, inf, m1)
        gm2 = jnp.min(cm, axis=1, keepdims=True)
        gf2 = jnp.min(jnp.where(cm == gm2, flat1, bigf), axis=1, keepdims=True)
        a1_ref[pl.ds(sb * SB, SB), :] = gf1.astype(jnp.int32)
        a2_ref[pl.ds(sb * SB, SB), :] = gf2.astype(jnp.int32)


def _top2(trajectory, centers):
    return pl.pallas_call(
        _top2_block,
        grid=(B // BT,),
        in_specs=[
            pl.BlockSpec((BT, D), lambda b: (b, 0)),
            pl.BlockSpec((K, D), lambda b: (0, 0)),
        ],
        out_specs=[
            pl.BlockSpec((BT, 1), lambda b: (b, 0)),
            pl.BlockSpec((BT, 1), lambda b: (b, 0)),
        ],
        out_shape=[
            jax.ShapeDtypeStruct((B, 1), jnp.int32),
            jax.ShapeDtypeStruct((B, 1), jnp.int32),
        ],
        scratch_shapes=[
            pltpu.VMEM((K, 6 * (D + 1)), jnp.bfloat16),
        ],
        compiler_params=pltpu.CompilerParams(
            dimension_semantics=("arbitrary",),
        ),
    )(trajectory, centers)



def _sc_gather_body(c_hbm, a1_hbm, a2_hbm, g1_hbm, g2_hbm,
                    idx1_v, idx2_v, rows1_v, rows2_v, sem1, sem2):
    wid = lax.axis_index("s") * _NC + lax.axis_index("c")
    base = wid * _BPW
    pltpu.sync_copy(a1_hbm.at[pl.ds(base, _BPW)], idx1_v)
    pltpu.sync_copy(a2_hbm.at[pl.ds(base, _BPW)], idx2_v)
    cp1 = pltpu.async_copy(c_hbm.at[idx1_v], rows1_v, sem1)
    cp2 = pltpu.async_copy(c_hbm.at[idx2_v], rows2_v, sem2)
    cp1.wait()
    pltpu.sync_copy(rows1_v, g1_hbm.at[pl.ds(base, _BPW)])
    cp2.wait()
    pltpu.sync_copy(rows2_v, g2_hbm.at[pl.ds(base, _BPW)])


def _sc_gather(centers, a1, a2):
    mesh = plsc.VectorSubcoreMesh(core_axis_name="c", subcore_axis_name="s")
    fn = functools.partial(
        pl.kernel,
        mesh=mesh,
        compiler_params=pltpu.CompilerParams(use_tc_tiling_on_sc=False),
        out_type=[
            jax.ShapeDtypeStruct((B, D), jnp.float32),
            jax.ShapeDtypeStruct((B, D), jnp.float32),
        ],
        scratch_types=[
            pltpu.VMEM((_BPW,), jnp.int32),
            pltpu.VMEM((_BPW,), jnp.int32),
            pltpu.VMEM((_BPW, D), jnp.float32),
            pltpu.VMEM((_BPW, D), jnp.float32),
            pltpu.SemaphoreType.DMA,
            pltpu.SemaphoreType.DMA,
        ],
    )(_sc_gather_body)
    return fn(centers, a1, a2)



def _tree_sum_lanes(x):
    w = x.shape[1]
    while w > 1:
        h = w // 2
        x = x[:, :h] + x[:, h:]
        w = h
    return x


def _select_block(t_ref, g1_ref, g2_ref, a1_ref, a2_ref, idx_ref, off_ref):
    t = t_ref[...]
    g1 = g1_ref[...]
    g2 = g2_ref[...]
    a1 = a1_ref[...]
    a2 = a2_ref[...]
    e1 = t - g1
    e2 = t - g2
    d1 = jnp.sqrt(_tree_sum_lanes(e1 * e1))
    d2 = jnp.sqrt(_tree_sum_lanes(e2 * e2))
    pick1 = (d1 < d2) | ((d1 == d2) & (a1 < a2))
    idx_ref[...] = jnp.where(pick1, a1, a2)
    off_ref[...] = jnp.where(pick1, e1, e2)


def _select(trajectory, g1, g2, a1, a2):
    return pl.pallas_call(
        _select_block,
        grid=(B // BT2,),
        in_specs=[
            pl.BlockSpec((BT2, D), lambda i: (i, 0)),
            pl.BlockSpec((BT2, D), lambda i: (i, 0)),
            pl.BlockSpec((BT2, D), lambda i: (i, 0)),
            pl.BlockSpec((BT2, 1), lambda i: (i, 0)),
            pl.BlockSpec((BT2, 1), lambda i: (i, 0)),
        ],
        out_specs=[
            pl.BlockSpec((BT2, 1), lambda i: (i, 0)),
            pl.BlockSpec((BT2, D), lambda i: (i, 0)),
        ],
        out_shape=[
            jax.ShapeDtypeStruct((B, 1), jnp.int32),
            jax.ShapeDtypeStruct((B, D), jnp.float32),
        ],
    )(trajectory, g1, g2, a1, a2)



@jax.jit
def kernel(trajectory, centers):
    a1, a2 = _top2(trajectory, centers)
    g1, g2 = _sc_gather(centers, a1.reshape(B), a2.reshape(B))
    idx, offset = _select(trajectory, g1, g2, a1, a2)
    return idx.reshape(B), offset

# --- scband reference (transcript-rebuilt; emitter-appended) ---
"""Pipeline reference for scband-kmeans-23313082482801 (READ-ONLY COPY).

The authoritative reference and input builder live on the scoring server;
editing this copy changes nothing except your own understanding.
"""

import jax, jax.numpy as jnp
import numpy as np


def setup_inputs(seed: int = 0) -> dict:
    key = jax.random.key(seed)
    k1, k2 = jax.random.split(key)
    trajectory = jax.random.normal(k1, (16384, 32), dtype=jnp.float32)
    centers = jax.random.normal(k2, (8192, 32), dtype=jnp.float32)
    return {"trajectory": trajectory, "centers": centers}


def reference(trajectory, centers):
    # KMeans.encode: nearest-center assignment + residual offset
    # dists = (centers[None] - trajectory[:, None]).norm(dim=-1) -> [B, K]
    dists = jnp.linalg.norm(centers[None, :, :] - trajectory[:, None, :], axis=-1)
    center_idxs = jnp.argmin(dists, axis=1)
    offset = trajectory - jnp.take(centers, center_idxs, axis=0)
    return center_idxs, offset

if __name__ == "__main__":
    import jax
    _d = setup_inputs()
    print(jax.jit(kernel)(*tuple(_d.values())))

</pallas_src>

<mosaic_0001>
#map = affine_map<(d0, d1) -> (0, 0)>
#map1 = affine_map<(d0, d1) -> (0)>
module attributes {stable_mosaic.version = 14 : i64} {
  func.func @_sc_gather_body(%arg0: i32, %arg1: i32, %arg2: memref<8192x32xf32, #tpu.memory_space<hbm>>, %arg3: memref<16384xi32, #tpu.memory_space<hbm>>, %arg4: memref<16384xi32, #tpu.memory_space<hbm>>, %arg5: memref<16384x32xf32, #tpu.memory_space<hbm>>, %arg6: memref<16384x32xf32, #tpu.memory_space<hbm>>, %arg7: memref<512xi32, #tpu.memory_space<vmem>>, %arg8: memref<512xi32, #tpu.memory_space<vmem>>, %arg9: memref<512x32xf32, #tpu.memory_space<vmem>>, %arg10: memref<512x32xf32, #tpu.memory_space<vmem>>, %arg11: memref<!tpu.dma_semaphore, #tpu.memory_space<semaphore_mem>>, %arg12: memref<!tpu.dma_semaphore, #tpu.memory_space<semaphore_mem>>) attributes {dimension_semantics = [#tpu.dimension_semantics<core_parallel>, #tpu.dimension_semantics<subcore_parallel>], iteration_bounds = array<i64: 2, 16>, scalar_prefetch = 0 : i64, scratch_operands = 6 : i64, tpu.core_type = #tpu.core_type<sc_vector_subcore>, window_params = [{transform_indices = #map}, {transform_indices = #map1}, {transform_indices = #map1}, {transform_indices = #map}, {transform_indices = #map}]} {
    %mul3A = arith.constant 2 : i32
    %mul3A_0 = arith.muli %arg1, %mul3A : i32
    %add3A = arith.addi %mul3A_0, %arg0 : i32
    %mul3A_1 = arith.constant 512 : i32
    %mul3A_2 = arith.muli %add3A, %mul3A_1 : i32
    "tpu.region"() ({
      %run_scoped3A = tpu.sem_alloc : memref<!tpu.dma_semaphore, #tpu.memory_space<semaphore_mem>>
      %dma_start3A_13 = tpu.memref_slice %arg3[%mul3A_2] : memref<16384xi32, #tpu.memory_space<hbm>> -> memref<512xi32, #tpu.memory_space<hbm>>
      %dma_start3A_14 = tpu.memref_slice %arg3[%mul3A_2] : memref<16384xi32, #tpu.memory_space<hbm>> -> memref<512xi32, #tpu.memory_space<hbm>>
      tpu.enqueue_dma source(%dma_start3A_14 : memref<512xi32, #tpu.memory_space<hbm>>) target(%arg7 : memref<512xi32, #tpu.memory_space<vmem>>) target_semaphore(%run_scoped3A : memref<!tpu.dma_semaphore, #tpu.memory_space<semaphore_mem>>)
      %dma_wait3A_15 = tpu.memref_slice %arg3[%mul3A_2] : memref<16384xi32, #tpu.memory_space<hbm>> -> memref<512xi32, #tpu.memory_space<hbm>>
      %dma_wait3A_16 = tpu.memref_slice %arg3[%mul3A_2] : memref<16384xi32, #tpu.memory_space<hbm>> -> memref<512xi32, #tpu.memory_space<hbm>>
      tpu.wait_dma2 semaphore(%run_scoped3A : memref<!tpu.dma_semaphore, #tpu.memory_space<semaphore_mem>>) src(%dma_wait3A_16 : memref<512xi32, #tpu.memory_space<hbm>>) dst(%arg7 : memref<512xi32, #tpu.memory_space<vmem>>)
      tpu.yield
    }) : () -> ()
    "tpu.region"() ({
      %run_scoped3A = tpu.sem_alloc : memref<!tpu.dma_semaphore, #tpu.memory_space<semaphore_mem>>
      %dma_start3A_13 = tpu.memref_slice %arg4[%mul3A_2] : memref<16384xi32, #tpu.memory_space<hbm>> -> memref<512xi32, #tpu.memory_space<hbm>>
      %dma_start3A_14 = tpu.memref_slice %arg4[%mul3A_2] : memref<16384xi32, #tpu.memory_space<hbm>> -> memref<512xi32, #tpu.memory_space<hbm>>
      tpu.enqueue_dma source(%dma_start3A_14 : memref<512xi32, #tpu.memory_space<hbm>>) target(%arg8 : memref<512xi32, #tpu.memory_space<vmem>>) target_semaphore(%run_scoped3A : memref<!tpu.dma_semaphore, #tpu.memory_space<semaphore_mem>>)
      %dma_wait3A_15 = tpu.memref_slice %arg4[%mul3A_2] : memref<16384xi32, #tpu.memory_space<hbm>> -> memref<512xi32, #tpu.memory_space<hbm>>
      %dma_wait3A_16 = tpu.memref_slice %arg4[%mul3A_2] : memref<16384xi32, #tpu.memory_space<hbm>> -> memref<512xi32, #tpu.memory_space<hbm>>
      tpu.wait_dma2 semaphore(%run_scoped3A : memref<!tpu.dma_semaphore, #tpu.memory_space<semaphore_mem>>) src(%dma_wait3A_16 : memref<512xi32, #tpu.memory_space<hbm>>) dst(%arg8 : memref<512xi32, #tpu.memory_space<vmem>>)
      tpu.yield
    }) : () -> ()
    %dma_start3A = arith.constant 0 : i32
    %dma_start3A_3 = arith.constant 0 : i32
    %dma_start3A_4 = tpu.memref_slice %arg2[%dma_start3A, %dma_start3A_3] : memref<8192x32xf32, #tpu.memory_space<hbm>> -> memref<8192x32xf32, #tpu.memory_space<hbm>>
    tpu.enqueue_indirect_dma source(%dma_start3A_4 : memref<8192x32xf32, #tpu.memory_space<hbm>>) target(%arg9 : memref<512x32xf32, #tpu.memory_space<vmem>>) offsets(%arg7 : memref<512xi32, #tpu.memory_space<vmem>>) semaphore(%arg11 : memref<!tpu.dma_semaphore, #tpu.memory_space<semaphore_mem>>)
    %dma_start3A_5 = arith.constant 0 : i32
    %dma_start3A_6 = arith.constant 0 : i32
    %dma_start3A_7 = tpu.memref_slice %arg2[%dma_start3A_5, %dma_start3A_6] : memref<8192x32xf32, #tpu.memory_space<hbm>> -> memref<8192x32xf32, #tpu.memory_space<hbm>>
    tpu.enqueue_indirect_dma source(%dma_start3A_7 : memref<8192x32xf32, #tpu.memory_space<hbm>>) target(%arg10 : memref<512x32xf32, #tpu.memory_space<vmem>>) offsets(%arg8 : memref<512xi32, #tpu.memory_space<vmem>>) semaphore(%arg12 : memref<!tpu.dma_semaphore, #tpu.memory_space<semaphore_mem>>)
    %dma_wait3A = arith.constant 0 : i32
    %dma_wait3A_8 = arith.constant 0 : i32
    %dma_wait3A_9 = tpu.memref_slice %arg2[%dma_wait3A, %dma_wait3A_8] : memref<8192x32xf32, #tpu.memory_space<hbm>> -> memref<8192x32xf32, #tpu.memory_space<hbm>>
    tpu.wait_indirect_dma semaphore(%arg11 : memref<!tpu.dma_semaphore, #tpu.memory_space<semaphore_mem>>) src(%dma_wait3A_9 : memref<8192x32xf32, #tpu.memory_space<hbm>>) dst(%arg9 : memref<512x32xf32, #tpu.memory_space<vmem>>)
    "tpu.region"() ({
      %run_scoped3A = tpu.sem_alloc : memref<!tpu.dma_semaphore, #tpu.memory_space<semaphore_mem>>
      %dma_start3A_13 = arith.constant 0 : i32
      %dma_start3A_14 = tpu.memref_slice %arg5[%mul3A_2, %dma_start3A_13] : memref<16384x32xf32, #tpu.memory_space<hbm>> -> memref<512x32xf32, #tpu.memory_space<hbm>>
      %dma_start3A_15 = arith.constant 0 : i32
      %dma_start3A_16 = tpu.memref_slice %arg5[%mul3A_2, %dma_start3A_15] : memref<16384x32xf32, #tpu.memory_space<hbm>> -> memref<512x32xf32, #tpu.memory_space<hbm>>
      tpu.enqueue_dma source(%arg9 : memref<512x32xf32, #tpu.memory_space<vmem>>) target(%dma_start3A_16 : memref<512x32xf32, #tpu.memory_space<hbm>>) target_semaphore(%run_scoped3A : memref<!tpu.dma_semaphore, #tpu.memory_space<semaphore_mem>>)
      %dma_wait3A_17 = arith.constant 0 : i32
      %dma_wait3A_18 = tpu.memref_slice %arg5[%mul3A_2, %dma_wait3A_17] : memref<16384x32xf32, #tpu.memory_space<hbm>> -> memref<512x32xf32, #tpu.memory_space<hbm>>
      %dma_wait3A_19 = arith.constant 0 : i32
      %dma_wait3A_20 = tpu.memref_slice %arg5[%mul3A_2, %dma_wait3A_19] : memref<16384x32xf32, #tpu.memory_space<hbm>> -> memref<512x32xf32, #tpu.memory_space<hbm>>
      tpu.wait_dma2 semaphore(%run_scoped3A : memref<!tpu.dma_semaphore, #tpu.memory_space<semaphore_mem>>) src(%arg9 : memref<512x32xf32, #tpu.memory_space<vmem>>) dst(%dma_wait3A_20 : memref<512x32xf32, #tpu.memory_space<hbm>>)
      tpu.yield
    }) : () -> ()
    %dma_wait3A_10 = arith.constant 0 : i32
    %dma_wait3A_11 = arith.constant 0 : i32
    %dma_wait3A_12 = tpu.memref_slice %arg2[%dma_wait3A_10, %dma_wait3A_11] : memref<8192x32xf32, #tpu.memory_space<hbm>> -> memref<8192x32xf32, #tpu.memory_space<hbm>>
    tpu.wait_indirect_dma semaphore(%arg12 : memref<!tpu.dma_semaphore, #tpu.memory_space<semaphore_mem>>) src(%dma_wait3A_12 : memref<8192x32xf32, #tpu.memory_space<hbm>>) dst(%arg10 : memref<512x32xf32, #tpu.memory_space<vmem>>)
    "tpu.region"() ({
      %run_scoped3A = tpu.sem_alloc : memref<!tpu.dma_semaphore, #tpu.memory_space<semaphore_mem>>
      %dma_start3A_13 = arith.constant 0 : i32
      %dma_start3A_14 = tpu.memref_slice %arg6[%mul3A_2, %dma_start3A_13] : memref<16384x32xf32, #tpu.memory_space<hbm>> -> memref<512x32xf32, #tpu.memory_space<hbm>>
      %dma_start3A_15 = arith.constant 0 : i32
      %dma_start3A_16 = tpu.memref_slice %arg6[%mul3A_2, %dma_start3A_15] : memref<16384x32xf32, #tpu.memory_space<hbm>> -> memref<512x32xf32, #tpu.memory_space<hbm>>
      tpu.enqueue_dma source(%arg10 : memref<512x32xf32, #tpu.memory_space<vmem>>) target(%dma_start3A_16 : memref<512x32xf32, #tpu.memory_space<hbm>>) target_semaphore(%run_scoped3A : memref<!tpu.dma_semaphore, #tpu.memory_space<semaphore_mem>>)
      %dma_wait3A_17 = arith.constant 0 : i32
      %dma_wait3A_18 = tpu.memref_slice %arg6[%mul3A_2, %dma_wait3A_17] : memref<16384x32xf32, #tpu.memory_space<hbm>> -> memref<512x32xf32, #tpu.memory_space<hbm>>
      %dma_wait3A_19 = arith.constant 0 : i32
      %dma_wait3A_20 = tpu.memref_slice %arg6[%mul3A_2, %dma_wait3A_19] : memref<16384x32xf32, #tpu.memory_space<hbm>> -> memref<512x32xf32, #tpu.memory_space<hbm>>
      tpu.wait_dma2 semaphore(%run_scoped3A : memref<!tpu.dma_semaphore, #tpu.memory_space<semaphore_mem>>) src(%arg10 : memref<512x32xf32, #tpu.memory_space<vmem>>) dst(%dma_wait3A_20 : memref<512x32xf32, #tpu.memory_space<hbm>>)
      tpu.yield
    }) : () -> ()
    return
  }
}

module attributes {stable_mosaic.version = 14 : i64} {
  func.func @_top2_block(%arg0: i32, %arg1: memref<1024x32xf32, #tpu.memory_space<vmem>>, %arg2: memref<8192x32xf32, #tpu.memory_space<vmem>>, %arg3: memref<1024x1xi32, #tpu.memory_space<vmem>>, %arg4: memref<1024x1xi32, #tpu.memory_space<vmem>>, %arg5: memref<8192x198xbf16, #tpu.memory_space<vmem>>) attributes {dimension_semantics = [#tpu.dimension_semantics<arbitrary>], iteration_bounds = array<i64: 16>, scalar_prefetch = 0 : i64, scratch_operands = 1 : i64, tpu.core_type = #tpu.core_type<tc>, window_params = [{transform_indices = @transform_0, window_bounds = array<i64: 1024, 32>}, {pipeline_mode = #tpu.pipeline_mode<synchronous>, transform_indices = @transform_1, window_bounds = array<i64: 8192, 32>}, {transform_indices = @transform_2, window_bounds = array<i64: 1024, 1>}, {transform_indices = @transform_3, window_bounds = array<i64: 1024, 1>}]} {
    %get3A = arith.constant 0 : index
    %get3A_0 = arith.constant 0 : index
    %get3A_1 = vector.load %arg1[%get3A, %get3A_0] : memref<1024x32xf32, #tpu.memory_space<vmem>>, vector<1024x32xf32>
    %eq3A = arith.constant 0 : i32
    %eq3A_2 = arith.cmpi eq, %arg0, %eq3A : i32
    %convert_element_type3A = arith.extui %eq3A_2 : i1 to i32
    %cond3A = arith.constant 0 : i32
    %cond3A_3 = arith.cmpi ne, %convert_element_type3A, %cond3A : i32
    scf.if %cond3A_3 {
      %get3A_1701 = arith.constant 0 : index
      %get3A_1702 = arith.constant 0 : index
      %get3A_1703 = vector.load %arg2[%get3A_1701, %get3A_1702] : memref<8192x32xf32, #tpu.memory_space<vmem>>, vector<8192x32xf32>
      %mul3A_1704 = arith.mulf %get3A_1703, %get3A_1703 : vector<8192x32xf32>
      %reduce_sum3A = arith.constant dense<0.000000e+00> : vector<8192xf32>
      %reduce_sum3A_1705 = vector.multi_reduction <add>, %mul3A_1704, %reduce_sum3A [1] : vector<8192x32xf32> to vector<8192xf32>
      %broadcast_in_dim3A_1706 = vector.shape_cast %reduce_sum3A_1705 : vector<8192xf32> to vector<8192x1xf32>
      %concatenate3A_1707 = tpu.concatenate %get3A_1703, %broadcast_in_dim3A_1706 in 1 : vector<8192x32xf32>, vector<8192x1xf32> -> vector<8192x33xf32>
      %convert_element_type3A_1708 = arith.truncf %concatenate3A_1707 : vector<8192x33xf32> to vector<8192x33xbf16>
      %convert_element_type3A_1709 = arith.extf %convert_element_type3A_1708 : vector<8192x33xbf16> to vector<8192x33xf32>
      %sub3A_1710 = arith.subf %concatenate3A_1707, %convert_element_type3A_1709 : vector<8192x33xf32>
      %convert_element_type3A_1711 = arith.truncf %sub3A_1710 : vector<8192x33xf32> to vector<8192x33xbf16>
      %convert_element_type3A_1712 = arith.extf %convert_element_type3A_1711 : vector<8192x33xbf16> to vector<8192x33xf32>
      %sub3A_1713 = arith.subf %sub3A_1710, %convert_element_type3A_1712 : vector<8192x33xf32>
      %convert_element_type3A_1714 = arith.truncf %sub3A_1713 : vector<8192x33xf32> to vector<8192x33xbf16>
      %concatenate3A_1715 = tpu.concatenate %convert_element_type3A_1708, %convert_element_type3A_1708, %convert_element_type3A_1708, %convert_element_type3A_1711, %convert_element_type3A_1714, %convert_element_type3A_1711 in 1 : vector<8192x33xbf16>, vector<8192x33xbf16>, vector<8192x33xbf16>, vector<8192x33xbf16>, vector<8192x33xbf16>, vector<8192x33xbf16> -> vector<8192x198xbf16>
      %swap3A_1716 = arith.constant 0 : index
      %swap3A_1717 = arith.constant 0 : index
      %swap3A_1718 = vector.load %arg5[%swap3A_1716, %swap3A_1717] : memref<8192x198xbf16, #tpu.memory_space<vmem>>, vector<8192x198xbf16>
      tpu.vector_store %arg5[%swap3A_1716, %swap3A_1717], %concatenate3A_1715 {strides = array<i32>} : memref<8192x198xbf16, #tpu.memory_space<vmem>>, vector<8192x198xbf16>,
    } else {
    }
    %mul3A = arith.constant -2.000000e+00 : f32
    %mul3A_4 = vector.broadcast %mul3A : f32 to vector<1024x32xf32>
    %mul3A_5 = arith.mulf %mul3A_4, %get3A_1 : vector<1024x32xf32>
    %broadcast_in_dim3A = arith.constant 1.000000e+00 : f32
    %broadcast_in_dim3A_6 = vector.broadcast %broadcast_in_dim3A : f32 to vector<1024x1xf32>
    %concatenate3A = tpu.concatenate %mul3A_5, %broadcast_in_dim3A_6 in 1 : vector<1024x32xf32>, vector<1024x1xf32> -> vector<1024x33xf32>
    %convert_element_type3A_7 = arith.truncf %concatenate3A : vector<1024x33xf32> to vector<1024x33xbf16>
    %convert_element_type3A_8 = arith.extf %convert_element_type3A_7 : vector<1024x33xbf16> to vector<1024x33xf32>
    %sub3A = arith.subf %concatenate3A, %convert_element_type3A_8 : vector<1024x33xf32>
    %convert_element_type3A_9 = arith.truncf %sub3A : vector<1024x33xf32> to vector<1024x33xbf16>
    %convert_element_type3A_10 = arith.extf %convert_element_type3A_9 : vector<1024x33xbf16> to vector<1024x33xf32>
    %sub3A_11 = arith.subf %sub3A, %convert_element_type3A_10 : vector<1024x33xf32>
    %convert_element_type3A_12 = arith.truncf %sub3A_11 : vector<1024x33xf32> to vector<1024x33xbf16>
    %concatenate3A_13 = tpu.concatenate %convert_element_type3A_7, %convert_element_type3A_9, %convert_element_type3A_12, %convert_element_type3A_7, %convert_element_type3A_7, %convert_element_type3A_9 in 1 : vector<1024x33xbf16>, vector<1024x33xbf16>, vector<1024x33xbf16>, vector<1024x33xbf16>, vector<1024x33xbf16>, vector<1024x33xbf16> -> vector<1024x198xbf16>
    %get3A_14 = arith.constant 0 : index
    %get3A_15 = arith.constant 0 : index
    %get3A_16 = vector.load %arg5[%get3A_14, %get3A_15] : memref<8192x198xbf16, #tpu.memory_space<vmem>>, vector<8192x198xbf16>
    %iota3A = tpu.iota {dimensions = array<i32: 1>} : vector<256x128xi32>
    %convert_element_type3A_17 = arith.sitofp %iota3A : vector<256x128xi32> to vector<256x128xf32>
    %slice3A = vector.extract_strided_slice %concatenate3A_13 {offsets = [0, 0], sizes = [256, 198], strides = [1, 1]} : vector<1024x198xbf16> to vector<256x198xbf16>
    %dot_general3A = arith.constant dense<0.000000e+00> : vector<256x8192xf32>
    %dot_general3A_18 = tpu.matmul %slice3A, %get3A_16, %dot_general3A {dimension_numbers = #tpu.dot_dimension_numbers<[1], [1], [0], [0], [0, 0, 1, 0], [], []>, transpose_lhs_hint = false} : vector<256x198xbf16>, vector<8192x198xbf16>, vector<256x8192xf32> -> vector<256x8192xf32>
    %slice3A_19 = vector.extract_strided_slice %dot_general3A_18 {offsets = [0, 0], sizes = [256, 128], strides = [1, 1]} : vector<256x8192xf32> to vector<256x128xf32>
    %broadcast_in_dim3A_20 = arith.constant 0.000000e+00 : f32
    %broadcast_in_dim3A_21 = vector.broadcast %broadcast_in_dim3A_20 : f32 to vector<256x128xf32>
    %slice3A_22 = vector.extract_strided_slice %dot_general3A_18 {offsets = [0, 128], sizes = [256, 128], strides = [1, 1]} : vector<256x8192xf32> to vector<256x128xf32>
    %lt3A = arith.cmpf olt, %slice3A_22, %slice3A_19 : vector<256x128xf32>
    %jit3A = arith.constant 1.000000e+00 : f32
    %broadcast_in_dim3A_23 = vector.broadcast %jit3A : f32 to vector<256x128xf32>
    %select_n3A = arith.select %lt3A, %broadcast_in_dim3A_23, %broadcast_in_dim3A_21 : vector<256x128xi1>, vector<256x128xf32>
    %min3A = arith.minimumf %slice3A_22, %slice3A_19 : vector<256x128xf32>
    %slice3A_24 = vector.extract_strided_slice %dot_general3A_18 {offsets = [0, 256], sizes = [256, 128], strides = [1, 1]} : vector<256x8192xf32> to vector<256x128xf32>
    %lt3A_25 = arith.cmpf olt, %slice3A_24, %min3A : vector<256x128xf32>
    %jit3A_26 = arith.constant 2.000000e+00 : f32
    %broadcast_in_dim3A_27 = vector.broadcast %jit3A_26 : f32 to vector<256x128xf32>
    %select_n3A_28 = arith.select %lt3A_25, %broadcast_in_dim3A_27, %select_n3A : vector<256x128xi1>, vector<256x128xf32>
    %min3A_29 = arith.minimumf %slice3A_24, %min3A : vector<256x128xf32>
    %slice3A_30 = vector.extract_strided_slice %dot_general3A_18 {offsets = [0, 384], sizes = [256, 128], strides = [1, 1]} : vector<256x8192xf32> to vector<256x128xf32>
    %lt3A_31 = arith.cmpf olt, %slice3A_30, %min3A_29 : vector<256x128xf32>
    %jit3A_32 = arith.constant 3.000000e+00 : f32
    %broadcast_in_dim3A_33 = vector.broadcast %jit3A_32 : f32 to vector<256x128xf32>
    %select_n3A_34 = arith.select %lt3A_31, %broadcast_in_dim3A_33, %select_n3A_28 : vector<256x128xi1>, vector<256x128xf32>
    %min3A_35 = arith.minimumf %slice3A_30, %min3A_29 : vector<256x128xf32>
    %slice3A_36 = vector.extract_strided_slice %dot_general3A_18 {offsets = [0, 512], sizes = [256, 128], strides = [1, 1]} : vector<256x8192xf32> to vector<256x128xf32>
    %lt3A_37 = arith.cmpf olt, %slice3A_36, %min3A_35 : vector<256x128xf32>
    %jit3A_38 = arith.constant 4.000000e+00 : f32
    %broadcast_in_dim3A_39 = vector.broadcast %jit3A_38 : f32 to vector<256x128xf32>
    %select_n3A_40 = arith.select %lt3A_37, %broadcast_in_dim3A_39, %select_n3A_34 : vector<256x128xi1>, vector<256x128xf32>
    %min3A_41 = arith.minimumf %slice3A_36, %min3A_35 : vector<256x128xf32>
    %slice3A_42 = vector.extract_strided_slice %dot_general3A_18 {offsets = [0, 640], sizes = [256, 128], strides = [1, 1]} : vector<256x8192xf32> to vector<256x128xf32>
    %lt3A_43 = arith.cmpf olt, %slice3A_42, %min3A_41 : vector<256x128xf32>
    %jit3A_44 = arith.constant 5.000000e+00 : f32
    %broadcast_in_dim3A_45 = vector.broadcast %jit3A_44 : f32 to vector<256x128xf32>
    %select_n3A_46 = arith.select %lt3A_43, %broadcast_in_dim3A_45, %select_n3A_40 : vector<256x128xi1>, vector<256x128xf32>
    %min3A_47 = arith.minimumf %slice3A_42, %min3A_41 : vector<256x128xf32>
    %slice3A_48 = vector.extract_strided_slice %dot_general3A_18 {offsets = [0, 768], sizes = [256, 128], strides = [1, 1]} : vector<256x8192xf32> to vector<256x128xf32>
    %lt3A_49 = arith.cmpf olt, %slice3A_48, %min3A_47 : vector<256x128xf32>
    %jit3A_50 = arith.constant 6.000000e+00 : f32
    %broadcast_in_dim3A_51 = vector.broadcast %jit3A_50 : f32 to vector<256x128xf32>
    %select_n3A_52 = arith.select %lt3A_49, %broadcast_in_dim3A_51, %select_n3A_46 : vector<256x128xi1>, vector<256x128xf32>
    %min3A_53 = arith.minimumf %slice3A_48, %min3A_47 : vector<256x128xf32>
    %slice3A_54 = vector.extract_strided_slice %dot_general3A_18 {offsets = [0, 896], sizes = [256, 128], strides = [1, 1]} : vector<256x8192xf32> to vector<256x128xf32>
    %lt3A_55 = arith.cmpf olt, %slice3A_54, %min3A_53 : vector<256x128xf32>
    %jit3A_56 = arith.constant 7.000000e+00 : f32
    %broadcast_in_dim3A_57 = vector.broadcast %jit3A_56 : f32 to vector<256x128xf32>
    %select_n3A_58 = arith.select %lt3A_55, %broadcast_in_dim3A_57, %select_n3A_52 : vector<256x128xi1>, vector<256x128xf32>
    %min3A_59 = arith.minimumf %slice3A_54, %min3A_53 : vector<256x128xf32>
    %slice3A_60 = vector.extract_strided_slice %dot_general3A_18 {offsets = [0, 1024], sizes = [256, 128], strides = [1, 1]} : vector<256x8192xf32> to vector<256x128xf32>
    %lt3A_61 = arith.cmpf olt, %slice3A_60, %min3A_59 : vector<256x128xf32>
    %jit3A_62 = arith.constant 8.000000e+00 : f32
    %broadcast_in_dim3A_63 = vector.broadcast %jit3A_62 : f32 to vector<256x128xf32>
    %select_n3A_64 = arith.select %lt3A_61, %broadcast_in_dim3A_63, %select_n3A_58 : vector<256x128xi1>, vector<256x128xf32>
    %min3A_65 = arith.minimumf %slice3A_60, %min3A_59 : vector<256x128xf32>
    %slice3A_66 = vector.extract_strided_slice %dot_general3A_18 {offsets = [0, 1152], sizes = [256, 128], strides = [1, 1]} : vector<256x8192xf32> to vector<256x128xf32>
    %lt3A_67 = arith.cmpf olt, %slice3A_66, %min3A_65 : vector<256x128xf32>
    %jit3A_68 = arith.constant 9.000000e+00 : f32
    %broadcast_in_dim3A_69 = vector.broadcast %jit3A_68 : f32 to vector<256x128xf32>
    %select_n3A_70 = arith.select %lt3A_67, %broadcast_in_dim3A_69, %select_n3A_64 : vector<256x128xi1>, vector<256x128xf32>
    %min3A_71 = arith.minimumf %slice3A_66, %min3A_65 : vector<256x128xf32>
    %slice3A_72 = vector.extract_strided_slice %dot_general3A_18 {offsets = [0, 1280], sizes = [256, 128], strides = [1, 1]} : vector<256x8192xf32> to vector<256x128xf32>
    %lt3A_73 = arith.cmpf olt, %slice3A_72, %min3A_71 : vector<256x128xf32>
    %jit3A_74 = arith.constant 1.000000e+01 : f32
    %broadcast_in_dim3A_75 = vector.broadcast %jit3A_74 : f32 to vector<256x128xf32>
    %select_n3A_76 = arith.select %lt3A_73, %broadcast_in_dim3A_75, %select_n3A_70 : vector<256x128xi1>, vector<256x128xf32>
    %min3A_77 = arith.minimumf %slice3A_72, %min3A_71 : vector<256x128xf32>
    %slice3A_78 = vector.extract_strided_slice %dot_general3A_18 {offsets = [0, 1408], sizes = [256, 128], strides = [1, 1]} : vector<256x8192xf32> to vector<256x128xf32>
    %lt3A_79 = arith.cmpf olt, %slice3A_78, %min3A_77 : vector<256x128xf32>
    %jit3A_80 = arith.constant 1.100000e+01 : f32
    %broadcast_in_dim3A_81 = vector.broadcast %jit3A_80 : f32 to vector<256x128xf32>
    %select_n3A_82 = arith.select %lt3A_79, %broadcast_in_dim3A_81, %select_n3A_76 : vector<256x128xi1>, vector<256x128xf32>
    %min3A_83 = arith.minimumf %slice3A_78, %min3A_77 : vector<256x128xf32>
    %slice3A_84 = vector.extract_strided_slice %dot_general3A_18 {offsets = [0, 1536], sizes = [256, 128], strides = [1, 1]} : vector<256x8192xf32> to vector<256x128xf32>
    %lt3A_85 = arith.cmpf olt, %slice3A_84, %min3A_83 : vector<256x128xf32>
    %jit3A_86 = arith.constant 1.200000e+01 : f32
    %broadcast_in_dim3A_87 = vector.broadcast %jit3A_86 : f32 to vector<256x128xf32>
    %select_n3A_88 = arith.select %lt3A_85, %broadcast_in_dim3A_87, %select_n3A_82 : vector<256x128xi1>, vector<256x128xf32>
    %min3A_89 = arith.minimumf %slice3A_84, %min3A_83 : vector<256x128xf32>
    %slice3A_90 = vector.extract_strided_slice %dot_general3A_18 {offsets = [0, 1664], sizes = [256, 128], strides = [1, 1]} : vector<256x8192xf32> to vector<256x128xf32>
    %lt3A_91 = arith.cmpf olt, %slice3A_90, %min3A_89 : vector<256x128xf32>
    %jit3A_92 = arith.constant 1.300000e+01 : f32
    %broadcast_in_dim3A_93 = vector.broadcast %jit3A_92 : f32 to vector<256x128xf32>
    %select_n3A_94 = arith.select %lt3A_91, %broadcast_in_dim3A_93, %select_n3A_88 : vector<256x128xi1>, vector<256x128xf32>
    %min3A_95 = arith.minimumf %slice3A_90, %min3A_89 : vector<256x128xf32>
    %slice3A_96 = vector.extract_strided_slice %dot_general3A_18 {offsets = [0, 1792], sizes = [256, 128], strides = [1, 1]} : vector<256x8192xf32> to vector<256x128xf32>
    %lt3A_97 = arith.cmpf olt, %slice3A_96, %min3A_95 : vector<256x128xf32>
    %jit3A_98 = arith.constant 1.400000e+01 : f32
    %broadcast_in_dim3A_99 = vector.broadcast %jit3A_98 : f32 to vector<256x128xf32>
    %select_n3A_100 = arith.select %lt3A_97, %broadcast_in_dim3A_99, %select_n3A_94 : vector<256x128xi1>, vector<256x128xf32>
    %min3A_101 = arith.minimumf %slice3A_96, %min3A_95 : vector<256x128xf32>
    %slice3A_102 = vector.extract_strided_slice %dot_general3A_18 {offsets = [0, 1920], sizes = [256, 128], strides = [1, 1]} : vector<256x8192xf32> to vector<256x128xf32>
    %lt3A_103 = arith.cmpf olt, %slice3A_102, %min3A_101 : vector<256x128xf32>
    %jit3A_104 = arith.constant 1.500000e+01 : f32
    %broadcast_in_dim3A_105 = vector.broadcast %jit3A_104 : f32 to vector<256x128xf32>
    %select_n3A_106 = arith.select %lt3A_103, %broadcast_in_dim3A_105, %select_n3A_100 : vector<256x128xi1>, vector<256x128xf32>
    %min3A_107 = arith.minimumf %slice3A_102, %min3A_101 : vector<256x128xf32>
    %slice3A_108 = vector.extract_strided_slice %dot_general3A_18 {offsets = [0, 2048], sizes = [256, 128], strides = [1, 1]} : vector<256x8192xf32> to vector<256x128xf32>
    %lt3A_109 = arith.cmpf olt, %slice3A_108, %min3A_107 : vector<256x128xf32>
    %jit3A_110 = arith.constant 1.600000e+01 : f32
    %broadcast_in_dim3A_111 = vector.broadcast %jit3A_110 : f32 to vector<256x128xf32>
    %select_n3A_112 = arith.select %lt3A_109, %broadcast_in_dim3A_111, %select_n3A_106 : vector<256x128xi1>, vector<256x128xf32>
    %min3A_113 = arith.minimumf %slice3A_108, %min3A_107 : vector<256x128xf32>
    %slice3A_114 = vector.extract_strided_slice %dot_general3A_18 {offsets = [0, 2176], sizes = [256, 128], strides = [1, 1]} : vector<256x8192xf32> to vector<256x128xf32>
    %lt3A_115 = arith.cmpf olt, %slice3A_114, %min3A_113 : vector<256x128xf32>
    %jit3A_116 = arith.constant 1.700000e+01 : f32
    %broadcast_in_dim3A_117 = vector.broadcast %jit3A_116 : f32 to vector<256x128xf32>
    %select_n3A_118 = arith.select %lt3A_115, %broadcast_in_dim3A_117, %select_n3A_112 : vector<256x128xi1>, vector<256x128xf32>
    %min3A_119 = arith.minimumf %slice3A_114, %min3A_113 : vector<256x128xf32>
    %slice3A_120 = vector.extract_strided_slice %dot_general3A_18 {offsets = [0, 2304], sizes = [256, 128], strides = [1, 1]} : vector<256x8192xf32> to vector<256x128xf32>
    %lt3A_121 = arith.cmpf olt, %slice3A_120, %min3A_119 : vector<256x128xf32>
    %jit3A_122 = arith.constant 1.800000e+01 : f32
    %broadcast_in_dim3A_123 = vector.broadcast %jit3A_122 : f32 to vector<256x128xf32>
    %select_n3A_124 = arith.select %lt3A_121, %broadcast_in_dim3A_123, %select_n3A_118 : vector<256x128xi1>, vector<256x128xf32>
    %min3A_125 = arith.minimumf %slice3A_120, %min3A_119 : vector<256x128xf32>
    %slice3A_126 = vector.extract_strided_slice %dot_general3A_18 {offsets = [0, 2432], sizes = [256, 128], strides = [1, 1]} : vector<256x8192xf32> to vector<256x128xf32>
    %lt3A_127 = arith.cmpf olt, %slice3A_126, %min3A_125 : vector<256x128xf32>
    %jit3A_128 = arith.constant 1.900000e+01 : f32
    %broadcast_in_dim3A_129 = vector.broadcast %jit3A_128 : f32 to vector<256x128xf32>
    %select_n3A_130 = arith.select %lt3A_127, %broadcast_in_dim3A_129, %select_n3A_124 : vector<256x128xi1>, vector<256x128xf32>
    %min3A_131 = arith.minimumf %slice3A_126, %min3A_125 : vector<256x128xf32>
    %slice3A_132 = vector.extract_strided_slice %dot_general3A_18 {offsets = [0, 2560], sizes = [256, 128], strides = [1, 1]} : vector<256x8192xf32> to vector<256x128xf32>
    %lt3A_133 = arith.cmpf olt, %slice3A_132, %min3A_131 : vector<256x128xf32>
    %jit3A_134 = arith.constant 2.000000e+01 : f32
    %broadcast_in_dim3A_135 = vector.broadcast %jit3A_134 : f32 to vector<256x128xf32>
    %select_n3A_136 = arith.select %lt3A_133, %broadcast_in_dim3A_135, %select_n3A_130 : vector<256x128xi1>, vector<256x128xf32>
    %min3A_137 = arith.minimumf %slice3A_132, %min3A_131 : vector<256x128xf32>
    %slice3A_138 = vector.extract_strided_slice %dot_general3A_18 {offsets = [0, 2688], sizes = [256, 128], strides = [1, 1]} : vector<256x8192xf32> to vector<256x128xf32>
    %lt3A_139 = arith.cmpf olt, %slice3A_138, %min3A_137 : vector<256x128xf32>
    %jit3A_140 = arith.constant 2.100000e+01 : f32
    %broadcast_in_dim3A_141 = vector.broadcast %jit3A_140 : f32 to vector<256x128xf32>
    %select_n3A_142 = arith.select %lt3A_139, %broadcast_in_dim3A_141, %select_n3A_136 : vector<256x128xi1>, vector<256x128xf32>
    %min3A_143 = arith.minimumf %slice3A_138, %min3A_137 : vector<256x128xf32>
    %slice3A_144 = vector.extract_strided_slice %dot_general3A_18 {offsets = [0, 2816], sizes = [256, 128], strides = [1, 1]} : vector<256x8192xf32> to vector<256x128xf32>
    %lt3A_145 = arith.cmpf olt, %slice3A_144, %min3A_143 : vector<256x128xf32>
    %jit3A_146 = arith.constant 2.200000e+01 : f32
    %broadcast_in_dim3A_147 = vector.broadcast %jit3A_146 : f32 to vector<256x128xf32>
    %select_n3A_148 = arith.select %lt3A_145, %broadcast_in_dim3A_147, %select_n3A_142 : vector<256x128xi1>, vector<256x128xf32>
    %min3A_149 = arith.minimumf %slice3A_144, %min3A_143 : vector<256x128xf32>
    %slice3A_150 = vector.extract_strided_slice %dot_general3A_18 {offsets = [0, 2944], sizes = [256, 128], strides = [1, 1]} : vector<256x8192xf32> to vector<256x128xf32>
    %lt3A_151 = arith.cmpf olt, %slice3A_150, %min3A_149 : vector<256x128xf32>
    %jit3A_152 = arith.constant 2.300000e+01 : f32
    %broadcast_in_dim3A_153 = vector.broadcast %jit3A_152 : f32 to vector<256x128xf32>
    %select_n3A_154 = arith.select %lt3A_151, %broadcast_in_dim3A_153, %select_n3A_148 : vector<256x128xi1>, vector<256x128xf32>
    %min3A_155 = arith.minimumf %slice3A_150, %min3A_149 : vector<256x128xf32>
    %slice3A_156 = vector.extract_strided_slice %dot_general3A_18 {offsets = [0, 3072], sizes = [256, 128], strides = [1, 1]} : vector<256x8192xf32> to vector<256x128xf32>
    %lt3A_157 = arith.cmpf olt, %slice3A_156, %min3A_155 : vector<256x128xf32>
    %jit3A_158 = arith.constant 2.400000e+01 : f32
    %broadcast_in_dim3A_159 = vector.broadcast %jit3A_158 : f32 to vector<256x128xf32>
    %select_n3A_160 = arith.select %lt3A_157, %broadcast_in_dim3A_159, %select_n3A_154 : vector<256x128xi1>, vector<256x128xf32>
    %min3A_161 = arith.minimumf %slice3A_156, %min3A_155 : vector<256x128xf32>
    %slice3A_162 = vector.extract_strided_slice %dot_general3A_18 {offsets = [0, 3200], sizes = [256, 128], strides = [1, 1]} : vector<256x8192xf32> to vector<256x128xf32>
    %lt3A_163 = arith.cmpf olt, %slice3A_162, %min3A_161 : vector<256x128xf32>
    %jit3A_164 = arith.constant 2.500000e+01 : f32
    %broadcast_in_dim3A_165 = vector.broadcast %jit3A_164 : f32 to vector<256x128xf32>
    %select_n3A_166 = arith.select %lt3A_163, %broadcast_in_dim3A_165, %select_n3A_160 : vector<256x128xi1>, vector<256x128xf32>
    %min3A_167 = arith.minimumf %slice3A_162, %min3A_161 : vector<256x128xf32>
    %slice3A_168 = vector.extract_strided_slice %dot_general3A_18 {offsets = [0, 3328], sizes = [256, 128], strides = [1, 1]} : vector<256x8192xf32> to vector<256x128xf32>
    %lt3A_169 = arith.cmpf olt, %slice3A_168, %min3A_167 : vector<256x128xf32>
    %jit3A_170 = arith.constant 2.600000e+01 : f32
    %broadcast_in_dim3A_171 = vector.broadcast %jit3A_170 : f32 to vector<256x128xf32>
    %select_n3A_172 = arith.select %lt3A_169, %broadcast_in_dim3A_171, %select_n3A_166 : vector<256x128xi1>, vector<256x128xf32>
    %min3A_173 = arith.minimumf %slice3A_168, %min3A_167 : vector<256x128xf32>
    %slice3A_174 = vector.extract_strided_slice %dot_general3A_18 {offsets = [0, 3456], sizes = [256, 128], strides = [1, 1]} : vector<256x8192xf32> to vector<256x128xf32>
    %lt3A_175 = arith.cmpf olt, %slice3A_174, %min3A_173 : vector<256x128xf32>
    %jit3A_176 = arith.constant 2.700000e+01 : f32
    %broadcast_in_dim3A_177 = vector.broadcast %jit3A_176 : f32 to vector<256x128xf32>
    %select_n3A_178 = arith.select %lt3A_175, %broadcast_in_dim3A_177, %select_n3A_172 : vector<256x128xi1>, vector<256x128xf32>
    %min3A_179 = arith.minimumf %slice3A_174, %min3A_173 : vector<256x128xf32>
    %slice3A_180 = vector.extract_strided_slice %dot_general3A_18 {offsets = [0, 3584], sizes = [256, 128], strides = [1, 1]} : vector<256x8192xf32> to vector<256x128xf32>
    %lt3A_181 = arith.cmpf olt, %slice3A_180, %min3A_179 : vector<256x128xf32>
    %jit3A_182 = arith.constant 2.800000e+01 : f32
    %broadcast_in_dim3A_183 = vector.broadcast %jit3A_182 : f32 to vector<256x128xf32>
    %select_n3A_184 = arith.select %lt3A_181, %broadcast_in_dim3A_183, %select_n3A_178 : vector<256x128xi1>, vector<256x128xf32>
    %min3A_185 = arith.minimumf %slice3A_180, %min3A_179 : vector<256x128xf32>
    %slice3A_186 = vector.extract_strided_slice %dot_general3A_18 {offsets = [0, 3712], sizes = [256, 128], strides = [1, 1]} : vector<256x8192xf32> to vector<256x128xf32>
    %lt3A_187 = arith.cmpf olt, %slice3A_186, %min3A_185 : vector<256x128xf32>
    %jit3A_188 = arith.constant 2.900000e+01 : f32
    %broadcast_in_dim3A_189 = vector.broadcast %jit3A_188 : f32 to vector<256x128xf32>
    %select_n3A_190 = arith.select %lt3A_187, %broadcast_in_dim3A_189, %select_n3A_184 : vector<256x128xi1>, vector<256x128xf32>
    %min3A_191 = arith.minimumf %slice3A_186, %min3A_185 : vector<256x128xf32>
    %slice3A_192 = vector.extract_strided_slice %dot_general3A_18 {offsets = [0, 3840], sizes = [256, 128], strides = [1, 1]} : vector<256x8192xf32> to vector<256x128xf32>
    %lt3A_193 = arith.cmpf olt, %slice3A_192, %min3A_191 : vector<256x128xf32>
    %jit3A_194 = arith.constant 3.000000e+01 : f32
    %broadcast_in_dim3A_195 = vector.broadcast %jit3A_194 : f32 to vector<256x128xf32>
    %select_n3A_196 = arith.select %lt3A_193, %broadcast_in_dim3A_195, %select_n3A_190 : vector<256x128xi1>, vector<256x128xf32>
    %min3A_197 = arith.minimumf %slice3A_192, %min3A_191 : vector<256x128xf32>
    %slice3A_198 = vector.extract_strided_slice %dot_general3A_18 {offsets = [0, 3968], sizes = [256, 128], strides = [1, 1]} : vector<256x8192xf32> to vector<256x128xf32>
    %lt3A_199 = arith.cmpf olt, %slice3A_198, %min3A_197 : vector<256x128xf32>
    %jit3A_200 = arith.constant 3.100000e+01 : f32
    %broadcast_in_dim3A_201 = vector.broadcast %jit3A_200 : f32 to vector<256x128xf32>
    %select_n3A_202 = arith.select %lt3A_199, %broadcast_in_dim3A_201, %select_n3A_196 : vector<256x128xi1>, vector<256x128xf32>
    %min3A_203 = arith.minimumf %slice3A_198, %min3A_197 : vector<256x128xf32>
    %slice3A_204 = vector.extract_strided_slice %dot_general3A_18 {offsets = [0, 4096], sizes = [256, 128], strides = [1, 1]} : vector<256x8192xf32> to vector<256x128xf32>
    %lt3A_205 = arith.cmpf olt, %slice3A_204, %min3A_203 : vector<256x128xf32>
    %jit3A_206 = arith.constant 3.200000e+01 : f32
    %broadcast_in_dim3A_207 = vector.broadcast %jit3A_206 : f32 to vector<256x128xf32>
    %select_n3A_208 = arith.select %lt3A_205, %broadcast_in_dim3A_207, %select_n3A_202 : vector<256x128xi1>, vector<256x128xf32>
    %min3A_209 = arith.minimumf %slice3A_204, %min3A_203 : vector<256x128xf32>
    %slice3A_210 = vector.extract_strided_slice %dot_general3A_18 {offsets = [0, 4224], sizes = [256, 128], strides = [1, 1]} : vector<256x8192xf32> to vector<256x128xf32>
    %lt3A_211 = arith.cmpf olt, %slice3A_210, %min3A_209 : vector<256x128xf32>
    %jit3A_212 = arith.constant 3.300000e+01 : f32
    %broadcast_in_dim3A_213 = vector.broadcast %jit3A_212 : f32 to vector<256x128xf32>
    %select_n3A_214 = arith.select %lt3A_211, %broadcast_in_dim3A_213, %select_n3A_208 : vector<256x128xi1>, vector<256x128xf32>
    %min3A_215 = arith.minimumf %slice3A_210, %min3A_209 : vector<256x128xf32>
    %slice3A_216 = vector.extract_strided_slice %dot_general3A_18 {offsets = [0, 4352], sizes = [256, 128], strides = [1, 1]} : vector<256x8192xf32> to vector<256x128xf32>
    %lt3A_217 = arith.cmpf olt, %slice3A_216, %min3A_215 : vector<256x128xf32>
    %jit3A_218 = arith.constant 3.400000e+01 : f32
    %broadcast_in_dim3A_219 = vector.broadcast %jit3A_218 : f32 to vector<256x128xf32>
    %select_n3A_220 = arith.select %lt3A_217, %broadcast_in_dim3A_219, %select_n3A_214 : vector<256x128xi1>, vector<256x128xf32>
    %min3A_221 = arith.minimumf %slice3A_216, %min3A_215 : vector<256x128xf32>
    %slice3A_222 = vector.extract_strided_slice %dot_general3A_18 {offsets = [0, 4480], sizes = [256, 128], strides = [1, 1]} : vector<256x8192xf32> to vector<256x128xf32>
    %lt3A_223 = arith.cmpf olt, %slice3A_222, %min3A_221 : vector<256x128xf32>
    %jit3A_224 = arith.constant 3.500000e+01 : f32
    %broadcast_in_dim3A_225 = vector.broadcast %jit3A_224 : f32 to vector<256x128xf32>
    %select_n3A_226 = arith.select %lt3A_223, %broadcast_in_dim3A_225, %select_n3A_220 : vector<256x128xi1>, vector<256x128xf32>
    %min3A_227 = arith.minimumf %slice3A_222, %min3A_221 : vector<256x128xf32>
    %slice3A_228 = vector.extract_strided_slice %dot_general3A_18 {offsets = [0, 4608], sizes = [256, 128], strides = [1, 1]} : vector<256x8192xf32> to vector<256x128xf32>
    %lt3A_229 = arith.cmpf olt, %slice3A_228, %min3A_227 : vector<256x128xf32>
    %jit3A_230 = arith.constant 3.600000e+01 : f32
    %broadcast_in_dim3A_231 = vector.broadcast %jit3A_230 : f32 to vector<256x128xf32>
    %select_n3A_232 = arith.select %lt3A_229, %broadcast_in_dim3A_231, %select_n3A_226 : vector<256x128xi1>, vector<256x128xf32>
    %min3A_233 = arith.minimumf %slice3A_228, %min3A_227 : vector<256x128xf32>
    %slice3A_234 = vector.extract_strided_slice %dot_general3A_18 {offsets = [0, 4736], sizes = [256, 128], strides = [1, 1]} : vector<256x8192xf32> to vector<256x128xf32>
    %lt3A_235 = arith.cmpf olt, %slice3A_234, %min3A_233 : vector<256x128xf32>
    %jit3A_236 = arith.constant 3.700000e+01 : f32
    %broadcast_in_dim3A_237 = vector.broadcast %jit3A_236 : f32 to vector<256x128xf32>
    %select_n3A_238 = arith.select %lt3A_235, %broadcast_in_dim3A_237, %select_n3A_232 : vector<256x128xi1>, vector<256x128xf32>
    %min3A_239 = arith.minimumf %slice3A_234, %min3A_233 : vector<256x128xf32>
    %slice3A_240 = vector.extract_strided_slice %dot_general3A_18 {offsets = [0, 4864], sizes = [256, 128], strides = [1, 1]} : vector<256x8192xf32> to vector<256x128xf32>
    %lt3A_241 = arith.cmpf olt, %slice3A_240, %min3A_239 : vector<256x128xf32>
    %jit3A_242 = arith.constant 3.800000e+01 : f32
    %broadcast_in_dim3A_243 = vector.broadcast %jit3A_242 : f32 to vector<256x128xf32>
    %select_n3A_244 = arith.select %lt3A_241, %broadcast_in_dim3A_243, %select_n3A_238 : vector<256x128xi1>, vector<256x128xf32>
    %min3A_245 = arith.minimumf %slice3A_240, %min3A_239 : vector<256x128xf32>
    %slice3A_246 = vector.extract_strided_slice %dot_general3A_18 {offsets = [0, 4992], sizes = [256, 128], strides = [1, 1]} : vector<256x8192xf32> to vector<256x128xf32>
    %lt3A_247 = arith.cmpf olt, %slice3A_246, %min3A_245 : vector<256x128xf32>
    %jit3A_248 = arith.constant 3.900000e+01 : f32
    %broadcast_in_dim3A_249 = vector.broadcast %jit3A_248 : f32 to vector<256x128xf32>
    %select_n3A_250 = arith.select %lt3A_247, %broadcast_in_dim3A_249, %select_n3A_244 : vector<256x128xi1>, vector<256x128xf32>
    %min3A_251 = arith.minimumf %slice3A_246, %min3A_245 : vector<256x128xf32>
    %slice3A_252 = vector.extract_strided_slice %dot_general3A_18 {offsets = [0, 5120], sizes = [256, 128], strides = [1, 1]} : vector<256x8192xf32> to vector<256x128xf32>
    %lt3A_253 = arith.cmpf olt, %slice3A_252, %min3A_251 : vector<256x128xf32>
    %jit3A_254 = arith.constant 4.000000e+01 : f32
    %broadcast_in_dim3A_255 = vector.broadcast %jit3A_254 : f32 to vector<256x128xf32>
    %select_n3A_256 = arith.select %lt3A_253, %broadcast_in_dim3A_255, %select_n3A_250 : vector<256x128xi1>, vector<256x128xf32>
    %min3A_257 = arith.minimumf %slice3A_252, %min3A_251 : vector<256x128xf32>
    %slice3A_258 = vector.extract_strided_slice %dot_general3A_18 {offsets = [0, 5248], sizes = [256, 128], strides = [1, 1]} : vector<256x8192xf32> to vector<256x128xf32>
    %lt3A_259 = arith.cmpf olt, %slice3A_258, %min3A_257 : vector<256x128xf32>
    %jit3A_260 = arith.constant 4.100000e+01 : f32
    %broadcast_in_dim3A_261 = vector.broadcast %jit3A_260 : f32 to vector<256x128xf32>
    %select_n3A_262 = arith.select %lt3A_259, %broadcast_in_dim3A_261, %select_n3A_256 : vector<256x128xi1>, vector<256x128xf32>
    %min3A_263 = arith.minimumf %slice3A_258, %min3A_257 : vector<256x128xf32>
    %slice3A_264 = vector.extract_strided_slice %dot_general3A_18 {offsets = [0, 5376], sizes = [256, 128], strides = [1, 1]} : vector<256x8192xf32> to vector<256x128xf32>
    %lt3A_265 = arith.cmpf olt, %slice3A_264, %min3A_263 : vector<256x128xf32>
    %jit3A_266 = arith.constant 4.200000e+01 : f32
    %broadcast_in_dim3A_267 = vector.broadcast %jit3A_266 : f32 to vector<256x128xf32>
    %select_n3A_268 = arith.select %lt3A_265, %broadcast_in_dim3A_267, %select_n3A_262 : vector<256x128xi1>, vector<256x128xf32>
    %min3A_269 = arith.minimumf %slice3A_264, %min3A_263 : vector<256x128xf32>
    %slice3A_270 = vector.extract_strided_slice %dot_general3A_18 {offsets = [0, 5504], sizes = [256, 128], strides = [1, 1]} : vector<256x8192xf32> to vector<256x128xf32>
    %lt3A_271 = arith.cmpf olt, %slice3A_270, %min3A_269 : vector<256x128xf32>
    %jit3A_272 = arith.constant 4.300000e+01 : f32
    %broadcast_in_dim3A_273 = vector.broadcast %jit3A_272 : f32 to vector<256x128xf32>
    %select_n3A_274 = arith.select %lt3A_271, %broadcast_in_dim3A_273, %select_n3A_268 : vector<256x128xi1>, vector<256x128xf32>
    %min3A_275 = arith.minimumf %slice3A_270, %min3A_269 : vector<256x128xf32>
    %slice3A_276 = vector.extract_strided_slice %dot_general3A_18 {offsets = [0, 5632], sizes = [256, 128], strides = [1, 1]} : vector<256x8192xf32> to vector<256x128xf32>
    %lt3A_277 = arith.cmpf olt, %slice3A_276, %min3A_275 : vector<256x128xf32>
    %jit3A_278 = arith.constant 4.400000e+01 : f32
    %broadcast_in_dim3A_279 = vector.broadcast %jit3A_278 : f32 to vector<256x128xf32>
    %select_n3A_280 = arith.select %lt3A_277, %broadcast_in_dim3A_279, %select_n3A_274 : vector<256x128xi1>, vector<256x128xf32>
    %min3A_281 = arith.minimumf %slice3A_276, %min3A_275 : vector<256x128xf32>
    %slice3A_282 = vector.extract_strided_slice %dot_general3A_18 {offsets = [0, 5760], sizes = [256, 128], strides = [1, 1]} : vector<256x8192xf32> to vector<256x128xf32>
    %lt3A_283 = arith.cmpf olt, %slice3A_282, %min3A_281 : vector<256x128xf32>
    %jit3A_284 = arith.constant 4.500000e+01 : f32
    %broadcast_in_dim3A_285 = vector.broadcast %jit3A_284 : f32 to vector<256x128xf32>
    %select_n3A_286 = arith.select %lt3A_283, %broadcast_in_dim3A_285, %select_n3A_280 : vector<256x128xi1>, vector<256x128xf32>
    %min3A_287 = arith.minimumf %slice3A_282, %min3A_281 : vector<256x128xf32>
    %slice3A_288 = vector.extract_strided_slice %dot_general3A_18 {offsets = [0, 5888], sizes = [256, 128], strides = [1, 1]} : vector<256x8192xf32> to vector<256x128xf32>
    %lt3A_289 = arith.cmpf olt, %slice3A_288, %min3A_287 : vector<256x128xf32>
    %jit3A_290 = arith.constant 4.600000e+01 : f32
    %broadcast_in_dim3A_291 = vector.broadcast %jit3A_290 : f32 to vector<256x128xf32>
    %select_n3A_292 = arith.select %lt3A_289, %broadcast_in_dim3A_291, %select_n3A_286 : vector<256x128xi1>, vector<256x128xf32>
    %min3A_293 = arith.minimumf %slice3A_288, %min3A_287 : vector<256x128xf32>
    %slice3A_294 = vector.extract_strided_slice %dot_general3A_18 {offsets = [0, 6016], sizes = [256, 128], strides = [1, 1]} : vector<256x8192xf32> to vector<256x128xf32>
    %lt3A_295 = arith.cmpf olt, %slice3A_294, %min3A_293 : vector<256x128xf32>
    %jit3A_296 = arith.constant 4.700000e+01 : f32
    %broadcast_in_dim3A_297 = vector.broadcast %jit3A_296 : f32 to vector<256x128xf32>
    %select_n3A_298 = arith.select %lt3A_295, %broadcast_in_dim3A_297, %select_n3A_292 : vector<256x128xi1>, vector<256x128xf32>
    %min3A_299 = arith.minimumf %slice3A_294, %min3A_293 : vector<256x128xf32>
    %slice3A_300 = vector.extract_strided_slice %dot_general3A_18 {offsets = [0, 6144], sizes = [256, 128], strides = [1, 1]} : vector<256x8192xf32> to vector<256x128xf32>
    %lt3A_301 = arith.cmpf olt, %slice3A_300, %min3A_299 : vector<256x128xf32>
    %jit3A_302 = arith.constant 4.800000e+01 : f32
    %broadcast_in_dim3A_303 = vector.broadcast %jit3A_302 : f32 to vector<256x128xf32>
    %select_n3A_304 = arith.select %lt3A_301, %broadcast_in_dim3A_303, %select_n3A_298 : vector<256x128xi1>, vector<256x128xf32>
    %min3A_305 = arith.minimumf %slice3A_300, %min3A_299 : vector<256x128xf32>
    %slice3A_306 = vector.extract_strided_slice %dot_general3A_18 {offsets = [0, 6272], sizes = [256, 128], strides = [1, 1]} : vector<256x8192xf32> to vector<256x128xf32>
    %lt3A_307 = arith.cmpf olt, %slice3A_306, %min3A_305 : vector<256x128xf32>
    %jit3A_308 = arith.constant 4.900000e+01 : f32
    %broadcast_in_dim3A_309 = vector.broadcast %jit3A_308 : f32 to vector<256x128xf32>
    %select_n3A_310 = arith.select %lt3A_307, %broadcast_in_dim3A_309, %select_n3A_304 : vector<256x128xi1>, vector<256x128xf32>
    %min3A_311 = arith.minimumf %slice3A_306, %min3A_305 : vector<256x128xf32>
    %slice3A_312 = vector.extract_strided_slice %dot_general3A_18 {offsets = [0, 6400], sizes = [256, 128], strides = [1, 1]} : vector<256x8192xf32> to vector<256x128xf32>
    %lt3A_313 = arith.cmpf olt, %slice3A_312, %min3A_311 : vector<256x128xf32>
    %jit3A_314 = arith.constant 5.000000e+01 : f32
    %broadcast_in_dim3A_315 = vector.broadcast %jit3A_314 : f32 to vector<256x128xf32>
    %select_n3A_316 = arith.select %lt3A_313, %broadcast_in_dim3A_315, %select_n3A_310 : vector<256x128xi1>, vector<256x128xf32>
    %min3A_317 = arith.minimumf %slice3A_312, %min3A_311 : vector<256x128xf32>
    %slice3A_318 = vector.extract_strided_slice %dot_general3A_18 {offsets = [0, 6528], sizes = [256, 128], strides = [1, 1]} : vector<256x8192xf32> to vector<256x128xf32>
    %lt3A_319 = arith.cmpf olt, %slice3A_318, %min3A_317 : vector<256x128xf32>
    %jit3A_320 = arith.constant 5.100000e+01 : f32
    %broadcast_in_dim3A_321 = vector.broadcast %jit3A_320 : f32 to vector<256x128xf32>
    %select_n3A_322 = arith.select %lt3A_319, %broadcast_in_dim3A_321, %select_n3A_316 : vector<256x128xi1>, vector<256x128xf32>
    %min3A_323 = arith.minimumf %slice3A_318, %min3A_317 : vector<256x128xf32>
    %slice3A_324 = vector.extract_strided_slice %dot_general3A_18 {offsets = [0, 6656], sizes = [256, 128], strides = [1, 1]} : vector<256x8192xf32> to vector<256x128xf32>
    %lt3A_325 = arith.cmpf olt, %slice3A_324, %min3A_323 : vector<256x128xf32>
    %jit3A_326 = arith.constant 5.200000e+01 : f32
    %broadcast_in_dim3A_327 = vector.broadcast %jit3A_326 : f32 to vector<256x128xf32>
    %select_n3A_328 = arith.select %lt3A_325, %broadcast_in_dim3A_327, %select_n3A_322 : vector<256x128xi1>, vector<256x128xf32>
    %min3A_329 = arith.minimumf %slice3A_324, %min3A_323 : vector<256x128xf32>
    %slice3A_330 = vector.extract_strided_slice %dot_general3A_18 {offsets = [0, 6784], sizes = [256, 128], strides = [1, 1]} : vector<256x8192xf32> to vector<256x128xf32>
    %lt3A_331 = arith.cmpf olt, %slice3A_330, %min3A_329 : vector<256x128xf32>
    %jit3A_332 = arith.constant 5.300000e+01 : f32
    %broadcast_in_dim3A_333 = vector.broadcast %jit3A_332 : f32 to vector<256x128xf32>
    %select_n3A_334 = arith.select %lt3A_331, %broadcast_in_dim3A_333, %select_n3A_328 : vector<256x128xi1>, vector<256x128xf32>
    %min3A_335 = arith.minimumf %slice3A_330, %min3A_329 : vector<256x128xf32>
    %slice3A_336 = vector.extract_strided_slice %dot_general3A_18 {offsets = [0, 6912], sizes = [256, 128], strides = [1, 1]} : vector<256x8192xf32> to vector<256x128xf32>
    %lt3A_337 = arith.cmpf olt, %slice3A_336, %min3A_335 : vector<256x128xf32>
    %jit3A_338 = arith.constant 5.400000e+01 : f32
    %broadcast_in_dim3A_339 = vector.broadcast %jit3A_338 : f32 to vector<256x128xf32>
    %select_n3A_340 = arith.select %lt3A_337, %broadcast_in_dim3A_339, %select_n3A_334 : vector<256x128xi1>, vector<256x128xf32>
    %min3A_341 = arith.minimumf %slice3A_336, %min3A_335 : vector<256x128xf32>
    %slice3A_342 = vector.extract_strided_slice %dot_general3A_18 {offsets = [0, 7040], sizes = [256, 128], strides = [1, 1]} : vector<256x8192xf32> to vector<256x128xf32>
    %lt3A_343 = arith.cmpf olt, %slice3A_342, %min3A_341 : vector<256x128xf32>
    %jit3A_344 = arith.constant 5.500000e+01 : f32
    %broadcast_in_dim3A_345 = vector.broadcast %jit3A_344 : f32 to vector<256x128xf32>
    %select_n3A_346 = arith.select %lt3A_343, %broadcast_in_dim3A_345, %select_n3A_340 : vector<256x128xi1>, vector<256x128xf32>
    %min3A_347 = arith.minimumf %slice3A_342, %min3A_341 : vector<256x128xf32>
    %slice3A_348 = vector.extract_strided_slice %dot_general3A_18 {offsets = [0, 7168], sizes = [256, 128], strides = [1, 1]} : vector<256x8192xf32> to vector<256x128xf32>
    %lt3A_349 = arith.cmpf olt, %slice3A_348, %min3A_347 : vector<256x128xf32>
    %jit3A_350 = arith.constant 5.600000e+01 : f32
    %broadcast_in_dim3A_351 = vector.broadcast %jit3A_350 : f32 to vector<256x128xf32>
    %select_n3A_352 = arith.select %lt3A_349, %broadcast_in_dim3A_351, %select_n3A_346 : vector<256x128xi1>, vector<256x128xf32>
    %min3A_353 = arith.minimumf %slice3A_348, %min3A_347 : vector<256x128xf32>
    %slice3A_354 = vector.extract_strided_slice %dot_general3A_18 {offsets = [0, 7296], sizes = [256, 128], strides = [1, 1]} : vector<256x8192xf32> to vector<256x128xf32>
    %lt3A_355 = arith.cmpf olt, %slice3A_354, %min3A_353 : vector<256x128xf32>
    %jit3A_356 = arith.constant 5.700000e+01 : f32
    %broadcast_in_dim3A_357 = vector.broadcast %jit3A_356 : f32 to vector<256x128xf32>
    %select_n3A_358 = arith.select %lt3A_355, %broadcast_in_dim3A_357, %select_n3A_352 : vector<256x128xi1>, vector<256x128xf32>
    %min3A_359 = arith.minimumf %slice3A_354, %min3A_353 : vector<256x128xf32>
    %slice3A_360 = vector.extract_strided_slice %dot_general3A_18 {offsets = [0, 7424], sizes = [256, 128], strides = [1, 1]} : vector<256x8192xf32> to vector<256x128xf32>
    %lt3A_361 = arith.cmpf olt, %slice3A_360, %min3A_359 : vector<256x128xf32>
    %jit3A_362 = arith.constant 5.800000e+01 : f32
    %broadcast_in_dim3A_363 = vector.broadcast %jit3A_362 : f32 to vector<256x128xf32>
    %select_n3A_364 = arith.select %lt3A_361, %broadcast_in_dim3A_363, %select_n3A_358 : vector<256x128xi1>, vector<256x128xf32>
    %min3A_365 = arith.minimumf %slice3A_360, %min3A_359 : vector<256x128xf32>
    %slice3A_366 = vector.extract_strided_slice %dot_general3A_18 {offsets = [0, 7552], sizes = [256, 128], strides = [1, 1]} : vector<256x8192xf32> to vector<256x128xf32>
    %lt3A_367 = arith.cmpf olt, %slice3A_366, %min3A_365 : vector<256x128xf32>
    %jit3A_368 = arith.constant 5.900000e+01 : f32
    %broadcast_in_dim3A_369 = vector.broadcast %jit3A_368 : f32 to vector<256x128xf32>
    %select_n3A_370 = arith.select %lt3A_367, %broadcast_in_dim3A_369, %select_n3A_364 : vector<256x128xi1>, vector<256x128xf32>
    %min3A_371 = arith.minimumf %slice3A_366, %min3A_365 : vector<256x128xf32>
    %slice3A_372 = vector.extract_strided_slice %dot_general3A_18 {offsets = [0, 7680], sizes = [256, 128], strides = [1, 1]} : vector<256x8192xf32> to vector<256x128xf32>
    %lt3A_373 = arith.cmpf olt, %slice3A_372, %min3A_371 : vector<256x128xf32>
    %jit3A_374 = arith.constant 6.000000e+01 : f32
    %broadcast_in_dim3A_375 = vector.broadcast %jit3A_374 : f32 to vector<256x128xf32>
    %select_n3A_376 = arith.select %lt3A_373, %broadcast_in_dim3A_375, %select_n3A_370 : vector<256x128xi1>, vector<256x128xf32>
    %min3A_377 = arith.minimumf %slice3A_372, %min3A_371 : vector<256x128xf32>
    %slice3A_378 = vector.extract_strided_slice %dot_general3A_18 {offsets = [0, 7808], sizes = [256, 128], strides = [1, 1]} : vector<256x8192xf32> to vector<256x128xf32>
    %lt3A_379 = arith.cmpf olt, %slice3A_378, %min3A_377 : vector<256x128xf32>
    %jit3A_380 = arith.constant 6.100000e+01 : f32
    %broadcast_in_dim3A_381 = vector.broadcast %jit3A_380 : f32 to vector<256x128xf32>
    %select_n3A_382 = arith.select %lt3A_379, %broadcast_in_dim3A_381, %select_n3A_376 : vector<256x128xi1>, vector<256x128xf32>
    %min3A_383 = arith.minimumf %slice3A_378, %min3A_377 : vector<256x128xf32>
    %slice3A_384 = vector.extract_strided_slice %dot_general3A_18 {offsets = [0, 7936], sizes = [256, 128], strides = [1, 1]} : vector<256x8192xf32> to vector<256x128xf32>
    %lt3A_385 = arith.cmpf olt, %slice3A_384, %min3A_383 : vector<256x128xf32>
    %jit3A_386 = arith.constant 6.200000e+01 : f32
    %broadcast_in_dim3A_387 = vector.broadcast %jit3A_386 : f32 to vector<256x128xf32>
    %select_n3A_388 = arith.select %lt3A_385, %broadcast_in_dim3A_387, %select_n3A_382 : vector<256x128xi1>, vector<256x128xf32>
    %min3A_389 = arith.minimumf %slice3A_384, %min3A_383 : vector<256x128xf32>
    %slice3A_390 = vector.extract_strided_slice %dot_general3A_18 {offsets = [0, 8064], sizes = [256, 128], strides = [1, 1]} : vector<256x8192xf32> to vector<256x128xf32>
    %lt3A_391 = arith.cmpf olt, %slice3A_390, %min3A_389 : vector<256x128xf32>
    %jit3A_392 = arith.constant 6.300000e+01 : f32
    %broadcast_in_dim3A_393 = vector.broadcast %jit3A_392 : f32 to vector<256x128xf32>
    %select_n3A_394 = arith.select %lt3A_391, %broadcast_in_dim3A_393, %select_n3A_388 : vector<256x128xi1>, vector<256x128xf32>
    %min3A_395 = arith.minimumf %slice3A_390, %min3A_389 : vector<256x128xf32>
    %mul3A_396 = arith.constant 1.280000e+02 : f32
    %mul3A_397 = vector.broadcast %mul3A_396 : f32 to vector<256x128xf32>
    %mul3A_398 = arith.mulf %select_n3A_394, %mul3A_397 : vector<256x128xf32>
    %add3A = arith.addf %mul3A_398, %convert_element_type3A_17 : vector<256x128xf32>
    %reduce_min3A = arith.constant dense<0x7F800000> : vector<256xf32>
    %reduce_min3A_399 = vector.multi_reduction <minimumf>, %min3A_395, %reduce_min3A [1] : vector<256x128xf32> to vector<256xf32>
    %broadcast_in_dim3A_400 = vector.shape_cast %reduce_min3A_399 : vector<256xf32> to vector<256x1xf32>
    %eq3A_401 = vector.broadcast %broadcast_in_dim3A_400 : vector<256x1xf32> to vector<256x128xf32>
    %eq3A_402 = arith.cmpf oeq, %min3A_395, %eq3A_401 : vector<256x128xf32>
    %jit3A_403 = arith.constant 6.553600e+04 : f32
    %broadcast_in_dim3A_404 = vector.broadcast %jit3A_403 : f32 to vector<256x128xf32>
    %select_n3A_405 = arith.select %eq3A_402, %add3A, %broadcast_in_dim3A_404 : vector<256x128xi1>, vector<256x128xf32>
    %reduce_min3A_406 = arith.constant dense<0x7F800000> : vector<256xf32>
    %reduce_min3A_407 = vector.multi_reduction <minimumf>, %select_n3A_405, %reduce_min3A_406 [1] : vector<256x128xf32> to vector<256xf32>
    %broadcast_in_dim3A_408 = vector.shape_cast %reduce_min3A_407 : vector<256xf32> to vector<256x1xf32>
    %eq3A_409 = vector.broadcast %broadcast_in_dim3A_408 : vector<256x1xf32> to vector<256x128xf32>
    %eq3A_410 = arith.cmpf oeq, %add3A, %eq3A_409 : vector<256x128xf32>
    %jit3A_411 = arith.constant 0x7F800000 : f32
    %broadcast_in_dim3A_412 = vector.broadcast %jit3A_411 : f32 to vector<256x128xf32>
    %select_n3A_413 = arith.select %eq3A_410, %broadcast_in_dim3A_412, %min3A_395 : vector<256x128xi1>, vector<256x128xf32>
    %reduce_min3A_414 = arith.constant dense<0x7F800000> : vector<256xf32>
    %reduce_min3A_415 = vector.multi_reduction <minimumf>, %select_n3A_413, %reduce_min3A_414 [1] : vector<256x128xf32> to vector<256xf32>
    %broadcast_in_dim3A_416 = vector.shape_cast %reduce_min3A_415 : vector<256xf32> to vector<256x1xf32>
    %eq3A_417 = vector.broadcast %broadcast_in_dim3A_416 : vector<256x1xf32> to vector<256x128xf32>
    %eq3A_418 = arith.cmpf oeq, %select_n3A_413, %eq3A_417 : vector<256x128xf32>
    %jit3A_419 = arith.constant 6.553600e+04 : f32
    %broadcast_in_dim3A_420 = vector.broadcast %jit3A_419 : f32 to vector<256x128xf32>
    %select_n3A_421 = arith.select %eq3A_418, %add3A, %broadcast_in_dim3A_420 : vector<256x128xi1>, vector<256x128xf32>
    %reduce_min3A_422 = arith.constant dense<0x7F800000> : vector<256xf32>
    %reduce_min3A_423 = vector.multi_reduction <minimumf>, %select_n3A_421, %reduce_min3A_422 [1] : vector<256x128xf32> to vector<256xf32>
    %broadcast_in_dim3A_424 = vector.shape_cast %reduce_min3A_423 : vector<256xf32> to vector<256x1xf32>
    %convert_element_type3A_425 = arith.fptosi %broadcast_in_dim3A_408 : vector<256x1xf32> to vector<256x1xi32>
    %swap3A = arith.constant 0 : index
    %swap3A_426 = arith.constant 0 : index
    %swap3A_427 = vector.load %arg3[%swap3A, %swap3A_426] : memref<1024x1xi32, #tpu.memory_space<vmem>>, vector<256x1xi32>
    tpu.vector_store %arg3[%swap3A, %swap3A_426], %convert_element_type3A_425 {strides = array<i32>} : memref<1024x1xi32, #tpu.memory_space<vmem>>, vector<256x1xi32>,
    %convert_element_type3A_428 = arith.fptosi %broadcast_in_dim3A_424 : vector<256x1xf32> to vector<256x1xi32>
    %swap3A_429 = arith.constant 0 : index
    %swap3A_430 = arith.constant 0 : index
    %swap3A_431 = vector.load %arg4[%swap3A_429, %swap3A_430] : memref<1024x1xi32, #tpu.memory_space<vmem>>, vector<256x1xi32>
    tpu.vector_store %arg4[%swap3A_429, %swap3A_430], %convert_element_type3A_428 {strides = array<i32>} : memref<1024x1xi32, #tpu.memory_space<vmem>>, vector<256x1xi32>,
    %slice3A_432 = vector.extract_strided_slice %concatenate3A_13 {offsets = [256, 0], sizes = [256, 198], strides = [1, 1]} : vector<1024x198xbf16> to vector<256x198xbf16>
    %dot_general3A_433 = arith.constant dense<0.000000e+00> : vector<256x8192xf32>
    %dot_general3A_434 = tpu.matmul %slice3A_432, %get3A_16, %dot_general3A_433 {dimension_numbers = #tpu.dot_dimension_numbers<[1], [1], [0], [0], [0, 0, 1, 0], [], []>, transpose_lhs_hint = false} : vector<256x198xbf16>, vector<8192x198xbf16>, vector<256x8192xf32> -> vector<256x8192xf32>
    %slice3A_435 = vector.extract_strided_slice %dot_general3A_434 {offsets = [0, 0], sizes = [256, 128], strides = [1, 1]} : vector<256x8192xf32> to vector<256x128xf32>
    %broadcast_in_dim3A_436 = arith.constant 0.000000e+00 : f32
    %broadcast_in_dim3A_437 = vector.broadcast %broadcast_in_dim3A_436 : f32 to vector<256x128xf32>
    %slice3A_438 = vector.extract_strided_slice %dot_general3A_434 {offsets = [0, 128], sizes = [256, 128], strides = [1, 1]} : vector<256x8192xf32> to vector<256x128xf32>
    %lt3A_439 = arith.cmpf olt, %slice3A_438, %slice3A_435 : vector<256x128xf32>
    %jit3A_440 = arith.constant 1.000000e+00 : f32
    %broadcast_in_dim3A_441 = vector.broadcast %jit3A_440 : f32 to vector<256x128xf32>
    %select_n3A_442 = arith.select %lt3A_439, %broadcast_in_dim3A_441, %broadcast_in_dim3A_437 : vector<256x128xi1>, vector<256x128xf32>
    %min3A_443 = arith.minimumf %slice3A_438, %slice3A_435 : vector<256x128xf32>
    %slice3A_444 = vector.extract_strided_slice %dot_general3A_434 {offsets = [0, 256], sizes = [256, 128], strides = [1, 1]} : vector<256x8192xf32> to vector<256x128xf32>
    %lt3A_445 = arith.cmpf olt, %slice3A_444, %min3A_443 : vector<256x128xf32>
    %jit3A_446 = arith.constant 2.000000e+00 : f32
    %broadcast_in_dim3A_447 = vector.broadcast %jit3A_446 : f32 to vector<256x128xf32>
    %select_n3A_448 = arith.select %lt3A_445, %broadcast_in_dim3A_447, %select_n3A_442 : vector<256x128xi1>, vector<256x128xf32>
    %min3A_449 = arith.minimumf %slice3A_444, %min3A_443 : vector<256x128xf32>
    %slice3A_450 = vector.extract_strided_slice %dot_general3A_434 {offsets = [0, 384], sizes = [256, 128], strides = [1, 1]} : vector<256x8192xf32> to vector<256x128xf32>
    %lt3A_451 = arith.cmpf olt, %slice3A_450, %min3A_449 : vector<256x128xf32>
    %jit3A_452 = arith.constant 3.000000e+00 : f32
    %broadcast_in_dim3A_453 = vector.broadcast %jit3A_452 : f32 to vector<256x128xf32>
    %select_n3A_454 = arith.select %lt3A_451, %broadcast_in_dim3A_453, %select_n3A_448 : vector<256x128xi1>, vector<256x128xf32>
    %min3A_455 = arith.minimumf %slice3A_450, %min3A_449 : vector<256x128xf32>
    %slice3A_456 = vector.extract_strided_slice %dot_general3A_434 {offsets = [0, 512], sizes = [256, 128], strides = [1, 1]} : vector<256x8192xf32> to vector<256x128xf32>
    %lt3A_457 = arith.cmpf olt, %slice3A_456, %min3A_455 : vector<256x128xf32>
    %jit3A_458 = arith.constant 4.000000e+00 : f32
    %broadcast_in_dim3A_459 = vector.broadcast %jit3A_458 : f32 to vector<256x128xf32>
    %select_n3A_460 = arith.select %lt3A_457, %broadcast_in_dim3A_459, %select_n3A_454 : vector<256x128xi1>, vector<256x128xf32>
    %min3A_461 = arith.minimumf %slice3A_456, %min3A_455 : vector<256x128xf32>
    %slice3A_462 = vector.extract_strided_slice %dot_general3A_434 {offsets = [0, 640], sizes = [256, 128], strides = [1, 1]} : vector<256x8192xf32> to vector<256x128xf32>
    %lt3A_463 = arith.cmpf olt, %slice3A_462, %min3A_461 : vector<256x128xf32>
    %jit3A_464 = arith.constant 5.000000e+00 : f32
    %broadcast_in_dim3A_465 = vector.broadcast %jit3A_464 : f32 to vector<256x128xf32>
    %select_n3A_466 = arith.select %lt3A_463, %broadcast_in_dim3A_465, %select_n3A_460 : vector<256x128xi1>, vector<256x128xf32>
    %min3A_467 = arith.minimumf %slice3A_462, %min3A_461 : vector<256x128xf32>
    %slice3A_468 = vector.extract_strided_slice %dot_general3A_434 {offsets = [0, 768], sizes = [256, 128], strides = [1, 1]} : vector<256x8192xf32> to vector<256x128xf32>
    %lt3A_469 = arith.cmpf olt, %slice3A_468, %min3A_467 : vector<256x128xf32>
    %jit3A_470 = arith.constant 6.000000e+00 : f32
    %broadcast_in_dim3A_471 = vector.broadcast %jit3A_470 : f32 to vector<256x128xf32>
    %select_n3A_472 = arith.select %lt3A_469, %broadcast_in_dim3A_471, %select_n3A_466 : vector<256x128xi1>, vector<256x128xf32>
    %min3A_473 = arith.minimumf %slice3A_468, %min3A_467 : vector<256x128xf32>
    %slice3A_474 = vector.extract_strided_slice %dot_general3A_434 {offsets = [0, 896], sizes = [256, 128], strides = [1, 1]} : vector<256x8192xf32> to vector<256x128xf32>
    %lt3A_475 = arith.cmpf olt, %slice3A_474, %min3A_473 : vector<256x128xf32>
    %jit3A_476 = arith.constant 7.000000e+00 : f32
    %broadcast_in_dim3A_477 = vector.broadcast %jit3A_476 : f32 to vector<256x128xf32>
    %select_n3A_478 = arith.select %lt3A_475, %broadcast_in_dim3A_477, %select_n3A_472 : vector<256x128xi1>, vector<256x128xf32>
    %min3A_479 = arith.minimumf %slice3A_474, %min3A_473 : vector<256x128xf32>
    %slice3A_480 = vector.extract_strided_slice %dot_general3A_434 {offsets = [0, 1024], sizes = [256, 128], strides = [1, 1]} : vector<256x8192xf32> to vector<256x128xf32>
    %lt3A_481 = arith.cmpf olt, %slice3A_480, %min3A_479 : vector<256x128xf32>
    %jit3A_482 = arith.constant 8.000000e+00 : f32
    %broadcast_in_dim3A_483 = vector.broadcast %jit3A_482 : f32 to vector<256x128xf32>
    %select_n3A_484 = arith.select %lt3A_481, %broadcast_in_dim3A_483, %select_n3A_478 : vector<256x128xi1>, vector<256x128xf32>
    %min3A_485 = arith.minimumf %slice3A_480, %min3A_479 : vector<256x128xf32>
    %slice3A_486 = vector.extract_strided_slice %dot_general3A_434 {offsets = [0, 1152], sizes = [256, 128], strides = [1, 1]} : vector<256x8192xf32> to vector<256x128xf32>
    %lt3A_487 = arith.cmpf olt, %slice3A_486, %min3A_485 : vector<256x128xf32>
    %jit3A_488 = arith.constant 9.000000e+00 : f32
    %broadcast_in_dim3A_489 = vector.broadcast %jit3A_488 : f32 to vector<256x128xf32>
    %select_n3A_490 = arith.select %lt3A_487, %broadcast_in_dim3A_489, %select_n3A_484 : vector<256x128xi1>, vector<256x128xf32>
    %min3A_491 = arith.minimumf %slice3A_486, %min3A_485 : vector<256x128xf32>
    %slice3A_492 = vector.extract_strided_slice %dot_general3A_434 {offsets = [0, 1280], sizes = [256, 128], strides = [1, 1]} : vector<256x8192xf32> to vector<256x128xf32>
    %lt3A_493 = arith.cmpf olt, %slice3A_492, %min3A_491 : vector<256x128xf32>
    %jit3A_494 = arith.constant 1.000000e+01 : f32
    %broadcast_in_dim3A_495 = vector.broadcast %jit3A_494 : f32 to vector<256x128xf32>
    %select_n3A_496 = arith.select %lt3A_493, %broadcast_in_dim3A_495, %select_n3A_490 : vector<256x128xi1>, vector<256x128xf32>
    %min3A_497 = arith.minimumf %slice3A_492, %min3A_491 : vector<256x128xf32>
    %slice3A_498 = vector.extract_strided_slice %dot_general3A_434 {offsets = [0, 1408], sizes = [256, 128], strides = [1, 1]} : vector<256x8192xf32> to vector<256x128xf32>
    %lt3A_499 = arith.cmpf olt, %slice3A_498, %min3A_497 : vector<256x128xf32>
    %jit3A_500 = arith.constant 1.100000e+01 : f32
    %broadcast_in_dim3A_501 = vector.broadcast %jit3A_500 : f32 to vector<256x128xf32>
    %select_n3A_502 = arith.select %lt3A_499, %broadcast_in_dim3A_501, %select_n3A_496 : vector<256x128xi1>, vector<256x128xf32>
    %min3A_503 = arith.minimumf %slice3A_498, %min3A_497 : vector<256x128xf32>
    %slice3A_504 = vector.extract_strided_slice %dot_general3A_434 {offsets = [0, 1536], sizes = [256, 128], strides = [1, 1]} : vector<256x8192xf32> to vector<256x128xf32>
    %lt3A_505 = arith.cmpf olt, %slice3A_504, %min3A_503 : vector<256x128xf32>
    %jit3A_506 = arith.constant 1.200000e+01 : f32
    %broadcast_in_dim3A_507 = vector.broadcast %jit3A_506 : f32 to vector<256x128xf32>
    %select_n3A_508 = arith.select %lt3A_505, %broadcast_in_dim3A_507, %select_n3A_502 : vector<256x128xi1>, vector<256x128xf32>
    %min3A_509 = arith.minimumf %slice3A_504, %min3A_503 : vector<256x128xf32>
    %slice3A_510 = vector.extract_strided_slice %dot_general3A_434 {offsets = [0, 1664], sizes = [256, 128], strides = [1, 1]} : vector<256x8192xf32> to vector<256x128xf32>
    %lt3A_511 = arith.cmpf olt, %slice3A_510, %min3A_509 : vector<256x128xf32>
    %jit3A_512 = arith.constant 1.300000e+01 : f32
    %broadcast_in_dim3A_513 = vector.broadcast %jit3A_512 : f32 to vector<256x128xf32>
    %select_n3A_514 = arith.select %lt3A_511, %broadcast_in_dim3A_513, %select_n3A_508 : vector<256x128xi1>, vector<256x128xf32>
    %min3A_515 = arith.minimumf %slice3A_510, %min3A_509 : vector<256x128xf32>
    %slice3A_516 = vector.extract_strided_slice %dot_general3A_434 {offsets = [0, 1792], sizes = [256, 128], strides = [1, 1]} : vector<256x8192xf32> to vector<256x128xf32>
    %lt3A_517 = arith.cmpf olt, %slice3A_516, %min3A_515 : vector<256x128xf32>
    %jit3A_518 = arith.constant 1.400000e+01 : f32
    %broadcast_in_dim3A_519 = vector.broadcast %jit3A_518 : f32 to vector<256x128xf32>
    %select_n3A_520 = arith.select %lt3A_517, %broadcast_in_dim3A_519, %select_n3A_514 : vector<256x128xi1>, vector<256x128xf32>
    %min3A_521 = arith.minimumf %slice3A_516, %min3A_515 : vector<256x128xf32>
    %slice3A_522 = vector.extract_strided_slice %dot_general3A_434 {offsets = [0, 1920], sizes = [256, 128], strides = [1, 1]} : vector<256x8192xf32> to vector<256x128xf32>
    %lt3A_523 = arith.cmpf olt, %slice3A_522, %min3A_521 : vector<256x128xf32>
    %jit3A_524 = arith.constant 1.500000e+01 : f32
    %broadcast_in_dim3A_525 = vector.broadcast %jit3A_524 : f32 to vector<256x128xf32>
    %select_n3A_526 = arith.select %lt3A_523, %broadcast_in_dim3A_525, %select_n3A_520 : vector<256x128xi1>, vector<256x128xf32>
    %min3A_527 = arith.minimumf %slice3A_522, %min3A_521 : vector<256x128xf32>
    %slice3A_528 = vector.extract_strided_slice %dot_general3A_434 {offsets = [0, 2048], sizes = [256, 128], strides = [1, 1]} : vector<256x8192xf32> to vector<256x128xf32>
    %lt3A_529 = arith.cmpf olt, %slice3A_528, %min3A_527 : vector<256x128xf32>
    %jit3A_530 = arith.constant 1.600000e+01 : f32
    %broadcast_in_dim3A_531 = vector.broadcast %jit3A_530 : f32 to vector<256x128xf32>
    %select_n3A_532 = arith.select %lt3A_529, %broadcast_in_dim3A_531, %select_n3A_526 : vector<256x128xi1>, vector<256x128xf32>
    %min3A_533 = arith.minimumf %slice3A_528, %min3A_527 : vector<256x128xf32>
    %slice3A_534 = vector.extract_strided_slice %dot_general3A_434 {offsets = [0, 2176], sizes = [256, 128], strides = [1, 1]} : vector<256x8192xf32> to vector<256x128xf32>
    %lt3A_535 = arith.cmpf olt, %slice3A_534, %min3A_533 : vector<256x128xf32>
    %jit3A_536 = arith.constant 1.700000e+01 : f32
    %broadcast_in_dim3A_537 = vector.broadcast %jit3A_536 : f32 to vector<256x128xf32>
    %select_n3A_538 = arith.select %lt3A_535, %broadcast_in_dim3A_537, %select_n3A_532 : vector<256x128xi1>, vector<256x128xf32>
    %min3A_539 = arith.minimumf %slice3A_534, %min3A_533 : vector<256x128xf32>
    %slice3A_540 = vector.extract_strided_slice %dot_general3A_434 {offsets = [0, 2304], sizes = [256, 128], strides = [1, 1]} : vector<256x8192xf32> to vector<256x128xf32>
    %lt3A_541 = arith.cmpf olt, %slice3A_540, %min3A_539 : vector<256x128xf32>
    %jit3A_542 = arith.constant 1.800000e+01 : f32
    %broadcast_in_dim3A_543 = vector.broadcast %jit3A_542 : f32 to vector<256x128xf32>
    %select_n3A_544 = arith.select %lt3A_541, %broadcast_in_dim3A_543, %select_n3A_538 : vector<256x128xi1>, vector<256x128xf32>
    %min3A_545 = arith.minimumf %slice3A_540, %min3A_539 : vector<256x128xf32>
    %slice3A_546 = vector.extract_strided_slice %dot_general3A_434 {offsets = [0, 2432], sizes = [256, 128], strides = [1, 1]} : vector<256x8192xf32> to vector<256x128xf32>
    %lt3A_547 = arith.cmpf olt, %slice3A_546, %min3A_545 : vector<256x128xf32>
    %jit3A_548 = arith.constant 1.900000e+01 : f32
    %broadcast_in_dim3A_549 = vector.broadcast %jit3A_548 : f32 to vector<256x128xf32>
    %select_n3A_550 = arith.select %lt3A_547, %broadcast_in_dim3A_549, %select_n3A_544 : vector<256x128xi1>, vector<256x128xf32>
    %min3A_551 = arith.minimumf %slice3A_546, %min3A_545 : vector<256x128xf32>
    %slice3A_552 = vector.extract_strided_slice %dot_general3A_434 {offsets = [0, 2560], sizes = [256, 128], strides = [1, 1]} : vector<256x8192xf32> to vector<256x128xf32>
    %lt3A_553 = arith.cmpf olt, %slice3A_552, %min3A_551 : vector<256x128xf32>
    %jit3A_554 = arith.constant 2.000000e+01 : f32
    %broadcast_in_dim3A_555 = vector.broadcast %jit3A_554 : f32 to vector<256x128xf32>
    %select_n3A_556 = arith.select %lt3A_553, %broadcast_in_dim3A_555, %select_n3A_550 : vector<256x128xi1>, vector<256x128xf32>
    %min3A_557 = arith.minimumf %slice3A_552, %min3A_551 : vector<256x128xf32>
    %slice3A_558 = vector.extract_strided_slice %dot_general3A_434 {offsets = [0, 2688], sizes = [256, 128], strides = [1, 1]} : vector<256x8192xf32> to vector<256x128xf32>
    %lt3A_559 = arith.cmpf olt, %slice3A_558, %min3A_557 : vector<256x128xf32>
    %jit3A_560 = arith.constant 2.100000e+01 : f32
    %broadcast_in_dim3A_561 = vector.broadcast %jit3A_560 : f32 to vector<256x128xf32>
    %select_n3A_562 = arith.select %lt3A_559, %broadcast_in_dim3A_561, %select_n3A_556 : vector<256x128xi1>, vector<256x128xf32>
    %min3A_563 = arith.minimumf %slice3A_558, %min3A_557 : vector<256x128xf32>
    %slice3A_564 = vector.extract_strided_slice %dot_general3A_434 {offsets = [0, 2816], sizes = [256, 128], strides = [1, 1]} : vector<256x8192xf32> to vector<256x128xf32>
    %lt3A_565 = arith.cmpf olt, %slice3A_564, %min3A_563 : vector<256x128xf32>
    %jit3A_566 = arith.constant 2.200000e+01 : f32
    %broadcast_in_dim3A_567 = vector.broadcast %jit3A_566 : f32 to vector<256x128xf32>
    %select_n3A_568 = arith.select %lt3A_565, %broadcast_in_dim3A_567, %select_n3A_562 : vector<256x128xi1>, vector<256x128xf32>
    %min3A_569 = arith.minimumf %slice3A_564, %min3A_563 : vector<256x128xf32>
    %slice3A_570 = vector.extract_strided_slice %dot_general3A_434 {offsets = [0, 2944], sizes = [256, 128], strides = [1, 1]} : vector<256x8192xf32> to vector<256x128xf32>
    %lt3A_571 = arith.cmpf olt, %slice3A_570, %min3A_569 : vector<256x128xf32>
    %jit3A_572 = arith.constant 2.300000e+01 : f32
    %broadcast_in_dim3A_573 = vector.broadcast %jit3A_572 : f32 to vector<256x128xf32>
    %select_n3A_574 = arith.select %lt3A_571, %broadcast_in_dim3A_573, %select_n3A_568 : vector<256x128xi1>, vector<256x128xf32>
    %min3A_575 = arith.minimumf %slice3A_570, %min3A_569 : vector<256x128xf32>
    %slice3A_576 = vector.extract_strided_slice %dot_general3A_434 {offsets = [0, 3072], sizes = [256, 128], strides = [1, 1]} : vector<256x8192xf32> to vector<256x128xf32>
    %lt3A_577 = arith.cmpf olt, %slice3A_576, %min3A_575 : vector<256x128xf32>
    %jit3A_578 = arith.constant 2.400000e+01 : f32
    %broadcast_in_dim3A_579 = vector.broadcast %jit3A_578 : f32 to vector<256x128xf32>
    %select_n3A_580 = arith.select %lt3A_577, %broadcast_in_dim3A_579, %select_n3A_574 : vector<256x128xi1>, vector<256x128xf32>
    %min3A_581 = arith.minimumf %slice3A_576, %min3A_575 : vector<256x128xf32>
    %slice3A_582 = vector.extract_strided_slice %dot_general3A_434 {offsets = [0, 3200], sizes = [256, 128], strides = [1, 1]} : vector<256x8192xf32> to vector<256x128xf32>
    %lt3A_583 = arith.cmpf olt, %slice3A_582, %min3A_581 : vector<256x128xf32>
    %jit3A_584 = arith.constant 2.500000e+01 : f32
    %broadcast_in_dim3A_585 = vector.broadcast %jit3A_584 : f32 to vector<256x128xf32>
    %select_n3A_586 = arith.select %lt3A_583, %broadcast_in_dim3A_585, %select_n3A_580 : vector<256x128xi1>, vector<256x128xf32>
    %min3A_587 = arith.minimumf %slice3A_582, %min3A_581 : vector<256x128xf32>
    %slice3A_588 = vector.extract_strided_slice %dot_general3A_434 {offsets = [0, 3328], sizes = [256, 128], strides = [1, 1]} : vector<256x8192xf32> to vector<256x128xf32>
    %lt3A_589 = arith.cmpf olt, %slice3A_588, %min3A_587 : vector<256x128xf32>
    %jit3A_590 = arith.constant 2.600000e+01 : f32
    %broadcast_in_dim3A_591 = vector.broadcast %jit3A_590 : f32 to vector<256x128xf32>
    %select_n3A_592 = arith.select %lt3A_589, %broadcast_in_dim3A_591, %select_n3A_586 : vector<256x128xi1>, vector<256x128xf32>
    %min3A_593 = arith.minimumf %slice3A_588, %min3A_587 : vector<256x128xf32>
    %slice3A_594 = vector.extract_strided_slice %dot_general3A_434 {offsets = [0, 3456], sizes = [256, 128], strides = [1, 1]} : vector<256x8192xf32> to vector<256x128xf32>
    %lt3A_595 = arith.cmpf olt, %slice3A_594, %min3A_593 : vector<256x128xf32>
    %jit3A_596 = arith.constant 2.700000e+01 : f32
    %broadcast_in_dim3A_597 = vector.broadcast %jit3A_596 : f32 to vector<256x128xf32>
    %select_n3A_598 = arith.select %lt3A_595, %broadcast_in_dim3A_597, %select_n3A_592 : vector<256x128xi1>, vector<256x128xf32>
    %min3A_599 = arith.minimumf %slice3A_594, %min3A_593 : vector<256x128xf32>
    %slice3A_600 = vector.extract_strided_slice %dot_general3A_434 {offsets = [0, 3584], sizes = [256, 128], strides = [1, 1]} : vector<256x8192xf32> to vector<256x128xf32>
    %lt3A_601 = arith.cmpf olt, %slice3A_600, %min3A_599 : vector<256x128xf32>
    %jit3A_602 = arith.constant 2.800000e+01 : f32
    %broadcast_in_dim3A_603 = vector.broadcast %jit3A_602 : f32 to vector<256x128xf32>
    %select_n3A_604 = arith.select %lt3A_601, %broadcast_in_dim3A_603, %select_n3A_598 : vector<256x128xi1>, vector<256x128xf32>
    %min3A_605 = arith.minimumf %slice3A_600, %min3A_599 : vector<256x128xf32>
    %slice3A_606 = vector.extract_strided_slice %dot_general3A_434 {offsets = [0, 3712], sizes = [256, 128], strides = [1, 1]} : vector<256x8192xf32> to vector<256x128xf32>
    %lt3A_607 = arith.cmpf olt, %slice3A_606, %min3A_605 : vector<256x128xf32>
    %jit3A_608 = arith.constant 2.900000e+01 : f32
    %broadcast_in_dim3A_609 = vector.broadcast %jit3A_608 : f32 to vector<256x128xf32>
    %select_n3A_610 = arith.select %lt3A_607, %broadcast_in_dim3A_609, %select_n3A_604 : vector<256x128xi1>, vector<256x128xf32>
    %min3A_611 = arith.minimumf %slice3A_606, %min3A_605 : vector<256x128xf32>
    %slice3A_612 = vector.extract_strided_slice %dot_general3A_434 {offsets = [0, 3840], sizes = [256, 128], strides = [1, 1]} : vector<256x8192xf32> to vector<256x128xf32>
    %lt3A_613 = arith.cmpf olt, %slice3A_612, %min3A_611 : vector<256x128xf32>
    %jit3A_614 = arith.constant 3.000000e+01 : f32
    %broadcast_in_dim3A_615 = vector.broadcast %jit3A_614 : f32 to vector<256x128xf32>
    %select_n3A_616 = arith.select %lt3A_613, %broadcast_in_dim3A_615, %select_n3A_610 : vector<256x128xi1>, vector<256x128xf32>
    %min3A_617 = arith.minimumf %slice3A_612, %min3A_611 : vector<256x128xf32>
    %slice3A_618 = vector.extract_strided_slice %dot_general3A_434 {offsets = [0, 3968], sizes = [256, 128], strides = [1, 1]} : vector<256x8192xf32> to vector<256x128xf32>
    %lt3A_619 = arith.cmpf olt, %slice3A_618, %min3A_617 : vector<256x128xf32>
    %jit3A_620 = arith.constant 3.100000e+01 : f32
    %broadcast_in_dim3A_621 = vector.broadcast %jit3A_620 : f32 to vector<256x128xf32>
    %select_n3A_622 = arith.select %lt3A_619, %broadcast_in_dim3A_621, %select_n3A_616 : vector<256x128xi1>, vector<256x128xf32>
    %min3A_623 = arith.minimumf %slice3A_618, %min3A_617 : vector<256x128xf32>
    %slice3A_624 = vector.extract_strided_slice %dot_general3A_434 {offsets = [0, 4096], sizes = [256, 128], strides = [1, 1]} : vector<256x8192xf32> to vector<256x128xf32>
    %lt3A_625 = arith.cmpf olt, %slice3A_624, %min3A_623 : vector<256x128xf32>
    %jit3A_626 = arith.constant 3.200000e+01 : f32
    %broadcast_in_dim3A_627 = vector.broadcast %jit3A_626 : f32 to vector<256x128xf32>
    %select_n3A_628 = arith.select %lt3A_625, %broadcast_in_dim3A_627, %select_n3A_622 : vector<256x128xi1>, vector<256x128xf32>
    %min3A_629 = arith.minimumf %slice3A_624, %min3A_623 : vector<256x128xf32>
    %slice3A_630 = vector.extract_strided_slice %dot_general3A_434 {offsets = [0, 4224], sizes = [256, 128], strides = [1, 1]} : vector<256x8192xf32> to vector<256x128xf32>
    %lt3A_631 = arith.cmpf olt, %slice3A_630, %min3A_629 : vector<256x128xf32>
    %jit3A_632 = arith.constant 3.300000e+01 : f32
    %broadcast_in_dim3A_633 = vector.broadcast %jit3A_632 : f32 to vector<256x128xf32>
    %select_n3A_634 = arith.select %lt3A_631, %broadcast_in_dim3A_633, %select_n3A_628 : vector<256x128xi1>, vector<256x128xf32>
    %min3A_635 = arith.minimumf %slice3A_630, %min3A_629 : vector<256x128xf32>
    %slice3A_636 = vector.extract_strided_slice %dot_general3A_434 {offsets = [0, 4352], sizes = [256, 128], strides = [1, 1]} : vector<256x8192xf32> to vector<256x128xf32>
    %lt3A_637 = arith.cmpf olt, %slice3A_636, %min3A_635 : vector<256x128xf32>
    %jit3A_638 = arith.constant 3.400000e+01 : f32
    %broadcast_in_dim3A_639 = vector.broadcast %jit3A_638 : f32 to vector<256x128xf32>
    %select_n3A_640 = arith.select %lt3A_637, %broadcast_in_dim3A_639, %select_n3A_634 : vector<256x128xi1>, vector<256x128xf32>
    %min3A_641 = arith.minimumf %slice3A_636, %min3A_635 : vector<256x128xf32>
    %slice3A_642 = vector.extract_strided_slice %dot_general3A_434 {offsets = [0, 4480], sizes = [256, 128], strides = [1, 1]} : vector<256x8192xf32> to vector<256x128xf32>
    %lt3A_643 = arith.cmpf olt, %slice3A_642, %min3A_641 : vector<256x128xf32>
    %jit3A_644 = arith.constant 3.500000e+01 : f32
    %broadcast_in_dim3A_645 = vector.broadcast %jit3A_644 : f32 to vector<256x128xf32>
    %select_n3A_646 = arith.select %lt3A_643, %broadcast_in_dim3A_645, %select_n3A_640 : vector<256x128xi1>, vector<256x128xf32>
    %min3A_647 = arith.minimumf %slice3A_642, %min3A_641 : vector<256x128xf32>
    %slice3A_648 = vector.extract_strided_slice %dot_general3A_434 {offsets = [0, 4608], sizes = [256, 128], strides = [1, 1]} : vector<256x8192xf32> to vector<256x128xf32>
    %lt3A_649 = arith.cmpf olt, %slice3A_648, %min3A_647 : vector<256x128xf32>
    %jit3A_650 = arith.constant 3.600000e+01 : f32
    %broadcast_in_dim3A_651 = vector.broadcast %jit3A_650 : f32 to vector<256x128xf32>
    %select_n3A_652 = arith.select %lt3A_649, %broadcast_in_dim3A_651, %select_n3A_646 : vector<256x128xi1>, vector<256x128xf32>
    %min3A_653 = arith.minimumf %slice3A_648, %min3A_647 : vector<256x128xf32>
    %slice3A_654 = vector.extract_strided_slice %dot_general3A_434 {offsets = [0, 4736], sizes = [256, 128], strides = [1, 1]} : vector<256x8192xf32> to vector<256x128xf32>
    %lt3A_655 = arith.cmpf olt, %slice3A_654, %min3A_653 : vector<256x128xf32>
    %jit3A_656 = arith.constant 3.700000e+01 : f32
    %broadcast_in_dim3A_657 = vector.broadcast %jit3A_656 : f32 to vector<256x128xf32>
    %select_n3A_658 = arith.select %lt3A_655, %broadcast_in_dim3A_657, %select_n3A_652 : vector<256x128xi1>, vector<256x128xf32>
    %min3A_659 = arith.minimumf %slice3A_654, %min3A_653 : vector<256x128xf32>
    %slice3A_660 = vector.extract_strided_slice %dot_general3A_434 {offsets = [0, 4864], sizes = [256, 128], strides = [1, 1]} : vector<256x8192xf32> to vector<256x128xf32>
    %lt3A_661 = arith.cmpf olt, %slice3A_660, %min3A_659 : vector<256x128xf32>
    %jit3A_662 = arith.constant 3.800000e+01 : f32
    %broadcast_in_dim3A_663 = vector.broadcast %jit3A_662 : f32 to vector<256x128xf32>
    %select_n3A_664 = arith.select %lt3A_661, %broadcast_in_dim3A_663, %select_n3A_658 : vector<256x128xi1>, vector<256x128xf32>
    %min3A_665 = arith.minimumf %slice3A_660, %min3A_659 : vector<256x128xf32>
    %slice3A_666 = vector.extract_strided_slice %dot_general3A_434 {offsets = [0, 4992], sizes = [256, 128], strides = [1, 1]} : vector<256x8192xf32> to vector<256x128xf32>
    %lt3A_667 = arith.cmpf olt, %slice3A_666, %min3A_665 : vector<256x128xf32>
    %jit3A_668 = arith.constant 3.900000e+01 : f32
    %broadcast_in_dim3A_669 = vector.broadcast %jit3A_668 : f32 to vector<256x128xf32>
    %select_n3A_670 = arith.select %lt3A_667, %broadcast_in_dim3A_669, %select_n3A_664 : vector<256x128xi1>, vector<256x128xf32>
    %min3A_671 = arith.minimumf %slice3A_666, %min3A_665 : vector<256x128xf32>
    %slice3A_672 = vector.extract_strided_slice %dot_general3A_434 {offsets = [0, 5120], sizes = [256, 128], strides = [1, 1]} : vector<256x8192xf32> to vector<256x128xf32>
    %lt3A_673 = arith.cmpf olt, %slice3A_672, %min3A_671 : vector<256x128xf32>
    %jit3A_674 = arith.constant 4.000000e+01 : f32
    %broadcast_in_dim3A_675 = vector.broadcast %jit3A_674 : f32 to vector<256x128xf32>
    %select_n3A_676 = arith.select %lt3A_673, %broadcast_in_dim3A_675, %select_n3A_670 : vector<256x128xi1>, vector<256x128xf32>
    %min3A_677 = arith.minimumf %slice3A_672, %min3A_671 : vector<256x128xf32>
    %slice3A_678 = vector.extract_strided_slice %dot_general3A_434 {offsets = [0, 5248], sizes = [256, 128], strides = [1, 1]} : vector<256x8192xf32> to vector<256x128xf32>
    %lt3A_679 = arith.cmpf olt, %slice3A_678, %min3A_677 : vector<256x128xf32>
    %jit3A_680 = arith.constant 4.100000e+01 : f32
    %broadcast_in_dim3A_681 = vector.broadcast %jit3A_680 : f32 to vector<256x128xf32>
    %select_n3A_682 = arith.select %lt3A_679, %broadcast_in_dim3A_681, %select_n3A_676 : vector<256x128xi1>, vector<256x128xf32>
    %min3A_683 = arith.minimumf %slice3A_678, %min3A_677 : vector<256x128xf32>
    %slice3A_684 = vector.extract_strided_slice %dot_general3A_434 {offsets = [0, 5376], sizes = [256, 128], strides = [1, 1]} : vector<256x8192xf32> to vector<256x128xf32>
    %lt3A_685 = arith.cmpf olt, %slice3A_684, %min3A_683 : vector<256x128xf32>
    %jit3A_686 = arith.constant 4.200000e+01 : f32
    %broadcast_in_dim3A_687 = vector.broadcast %jit3A_686 : f32 to vector<256x128xf32>
    %select_n3A_688 = arith.select %lt3A_685, %broadcast_in_dim3A_687, %select_n3A_682 : vector<256x128xi1>, vector<256x128xf32>
    %min3A_689 = arith.minimumf %slice3A_684, %min3A_683 : vector<256x128xf32>
    %slice3A_690 = vector.extract_strided_slice %dot_general3A_434 {offsets = [0, 5504], sizes = [256, 128], strides = [1, 1]} : vector<256x8192xf32> to vector<256x128xf32>
    %lt3A_691 = arith.cmpf olt, %slice3A_690, %min3A_689 : vector<256x128xf32>
    %jit3A_692 = arith.constant 4.300000e+01 : f32
    %broadcast_in_dim3A_693 = vector.broadcast %jit3A_692 : f32 to vector<256x128xf32>
    %select_n3A_694 = arith.select %lt3A_691, %broadcast_in_dim3A_693, %select_n3A_688 : vector<256x128xi1>, vector<256x128xf32>
    %min3A_695 = arith.minimumf %slice3A_690, %min3A_689 : vector<256x128xf32>
    %slice3A_696 = vector.extract_strided_slice %dot_general3A_434 {offsets = [0, 5632], sizes = [256, 128], strides = [1, 1]} : vector<256x8192xf32> to vector<256x128xf32>
    %lt3A_697 = arith.cmpf olt, %slice3A_696, %min3A_695 : vector<256x128xf32>
    %jit3A_698 = arith.constant 4.400000e+01 : f32
    %broadcast_in_dim3A_699 = vector.broadcast %jit3A_698 : f32 to vector<256x128xf32>
    %select_n3A_700 = arith.select %lt3A_697, %broadcast_in_dim3A_699, %select_n3A_694 : vector<256x128xi1>, vector<256x128xf32>
    %min3A_701 = arith.minimumf %slice3A_696, %min3A_695 : vector<256x128xf32>
    %slice3A_702 = vector.extract_strided_slice %dot_general3A_434 {offsets = [0, 5760], sizes = [256, 128], strides = [1, 1]} : vector<256x8192xf32> to vector<256x128xf32>
    %lt3A_703 = arith.cmpf olt, %slice3A_702, %min3A_701 : vector<256x128xf32>
    %jit3A_704 = arith.constant 4.500000e+01 : f32
    %broadcast_in_dim3A_705 = vector.broadcast %jit3A_704 : f32 to vector<256x128xf32>
    %select_n3A_706 = arith.select %lt3A_703, %broadcast_in_dim3A_705, %select_n3A_700 : vector<256x128xi1>, vector<256x128xf32>
    %min3A_707 = arith.minimumf %slice3A_702, %min3A_701 : vector<256x128xf32>
    %slice3A_708 = vector.extract_strided_slice %dot_general3A_434 {offsets = [0, 5888], sizes = [256, 128], strides = [1, 1]} : vector<256x8192xf32> to vector<256x128xf32>
    %lt3A_709 = arith.cmpf olt, %slice3A_708, %min3A_707 : vector<256x128xf32>
    %jit3A_710 = arith.constant 4.600000e+01 : f32
    %broadcast_in_dim3A_711 = vector.broadcast %jit3A_710 : f32 to vector<256x128xf32>
    %select_n3A_712 = arith.select %lt3A_709, %broadcast_in_dim3A_711, %select_n3A_706 : vector<256x128xi1>, vector<256x128xf32>
    %min3A_713 = arith.minimumf %slice3A_708, %min3A_707 : vector<256x128xf32>
    %slice3A_714 = vector.extract_strided_slice %dot_general3A_434 {offsets = [0, 6016], sizes = [256, 128], strides = [1, 1]} : vector<256x8192xf32> to vector<256x128xf32>
    %lt3A_715 = arith.cmpf olt, %slice3A_714, %min3A_713 : vector<256x128xf32>
    %jit3A_716 = arith.constant 4.700000e+01 : f32
    %broadcast_in_dim3A_717 = vector.broadcast %jit3A_716 : f32 to vector<256x128xf32>
    %select_n3A_718 = arith.select %lt3A_715, %broadcast_in_dim3A_717, %select_n3A_712 : vector<256x128xi1>, vector<256x128xf32>
    %min3A_719 = arith.minimumf %slice3A_714, %min3A_713 : vector<256x128xf32>
    %slice3A_720 = vector.extract_strided_slice %dot_general3A_434 {offsets = [0, 6144], sizes = [256, 128], strides = [1, 1]} : vector<256x8192xf32> to vector<256x128xf32>
    %lt3A_721 = arith.cmpf olt, %slice3A_720, %min3A_719 : vector<256x128xf32>
    %jit3A_722 = arith.constant 4.800000e+01 : f32
    %broadcast_in_dim3A_723 = vector.broadcast %jit3A_722 : f32 to vector<256x128xf32>
    %select_n3A_724 = arith.select %lt3A_721, %broadcast_in_dim3A_723, %select_n3A_718 : vector<256x128xi1>, vector<256x128xf32>
    %min3A_725 = arith.minimumf %slice3A_720, %min3A_719 : vector<256x128xf32>
    %slice3A_726 = vector.extract_strided_slice %dot_general3A_434 {offsets = [0, 6272], sizes = [256, 128], strides = [1, 1]} : vector<256x8192xf32> to vector<256x128xf32>
    %lt3A_727 = arith.cmpf olt, %slice3A_726, %min3A_725 : vector<256x128xf32>
    %jit3A_728 = arith.constant 4.900000e+01 : f32
    %broadcast_in_dim3A_729 = vector.broadcast %jit3A_728 : f32 to vector<256x128xf32>
    %select_n3A_730 = arith.select %lt3A_727, %broadcast_in_dim3A_729, %select_n3A_724 : vector<256x128xi1>, vector<256x128xf32>
    %min3A_731 = arith.minimumf %slice3A_726, %min3A_725 : vector<256x128xf32>
    %slice3A_732 = vector.extract_strided_slice %dot_general3A_434 {offsets = [0, 6400], sizes = [256, 128], strides = [1, 1]} : vector<256x8192xf32> to vector<256x128xf32>
    %lt3A_733 = arith.cmpf olt, %slice3A_732, %min3A_731 : vector<256x128xf32>
    %jit3A_734 = arith.constant 5.000000e+01 : f32
    %broadcast_in_dim3A_735 = vector.broadcast %jit3A_734 : f32 to vector<256x128xf32>
    %select_n3A_736 = arith.select %lt3A_733, %broadcast_in_dim3A_735, %select_n3A_730 : vector<256x128xi1>, vector<256x128xf32>
    %min3A_737 = arith.minimumf %slice3A_732, %min3A_731 : vector<256x128xf32>
    %slice3A_738 = vector.extract_strided_slice %dot_general3A_434 {offsets = [0, 6528], sizes = [256, 128], strides = [1, 1]} : vector<256x8192xf32> to vector<256x128xf32>
    %lt3A_739 = arith.cmpf olt, %slice3A_738, %min3A_737 : vector<256x128xf32>
    %jit3A_740 = arith.constant 5.100000e+01 : f32
    %broadcast_in_dim3A_741 = vector.broadcast %jit3A_740 : f32 to vector<256x128xf32>
    %select_n3A_742 = arith.select %lt3A_739, %broadcast_in_dim3A_741, %select_n3A_736 : vector<256x128xi1>, vector<256x128xf32>
    %min3A_743 = arith.minimumf %slice3A_738, %min3A_737 : vector<256x128xf32>
    %slice3A_744 = vector.extract_strided_slice %dot_general3A_434 {offsets = [0, 6656], sizes = [256, 128], strides = [1, 1]} : vector<256x8192xf32> to vector<256x128xf32>
    %lt3A_745 = arith.cmpf olt, %slice3A_744, %min3A_743 : vector<256x128xf32>
    %jit3A_746 = arith.constant 5.200000e+01 : f32
    %broadcast_in_dim3A_747 = vector.broadcast %jit3A_746 : f32 to vector<256x128xf32>
    %select_n3A_748 = arith.select %lt3A_745, %broadcast_in_dim3A_747, %select_n3A_742 : vector<256x128xi1>, vector<256x128xf32>
    %min3A_749 = arith.minimumf %slice3A_744, %min3A_743 : vector<256x128xf32>
    %slice3A_750 = vector.extract_strided_slice %dot_general3A_434 {offsets = [0, 6784], sizes = [256, 128], strides = [1, 1]} : vector<256x8192xf32> to vector<256x128xf32>
    %lt3A_751 = arith.cmpf olt, %slice3A_750, %min3A_749 : vector<256x128xf32>
    %jit3A_752 = arith.constant 5.300000e+01 : f32
    %broadcast_in_dim3A_753 = vector.broadcast %jit3A_752 : f32 to vector<256x128xf32>
    %select_n3A_754 = arith.select %lt3A_751, %broadcast_in_dim3A_753, %select_n3A_748 : vector<256x128xi1>, vector<256x128xf32>
    %min3A_755 = arith.minimumf %slice3A_750, %min3A_749 : vector<256x128xf32>
    %slice3A_756 = vector.extract_strided_slice %dot_general3A_434 {offsets = [0, 6912], sizes = [256, 128], strides = [1, 1]} : vector<256x8192xf32> to vector<256x128xf32>
    %lt3A_757 = arith.cmpf olt, %slice3A_756, %min3A_755 : vector<256x128xf32>
    %jit3A_758 = arith.constant 5.400000e+01 : f32
    %broadcast_in_dim3A_759 = vector.broadcast %jit3A_758 : f32 to vector<256x128xf32>
    %select_n3A_760 = arith.select %lt3A_757, %broadcast_in_dim3A_759, %select_n3A_754 : vector<256x128xi1>, vector<256x128xf32>
    %min3A_761 = arith.minimumf %slice3A_756, %min3A_755 : vector<256x128xf32>
    %slice3A_762 = vector.extract_strided_slice %dot_general3A_434 {offsets = [0, 7040], sizes = [256, 128], strides = [1, 1]} : vector<256x8192xf32> to vector<256x128xf32>
    %lt3A_763 = arith.cmpf olt, %slice3A_762, %min3A_761 : vector<256x128xf32>
    %jit3A_764 = arith.constant 5.500000e+01 : f32
    %broadcast_in_dim3A_765 = vector.broadcast %jit3A_764 : f32 to vector<256x128xf32>
    %select_n3A_766 = arith.select %lt3A_763, %broadcast_in_dim3A_765, %select_n3A_760 : vector<256x128xi1>, vector<256x128xf32>
    %min3A_767 = arith.minimumf %slice3A_762, %min3A_761 : vector<256x128xf32>
    %slice3A_768 = vector.extract_strided_slice %dot_general3A_434 {offsets = [0, 7168], sizes = [256, 128], strides = [1, 1]} : vector<256x8192xf32> to vector<256x128xf32>
    %lt3A_769 = arith.cmpf olt, %slice3A_768, %min3A_767 : vector<256x128xf32>
    %jit3A_770 = arith.constant 5.600000e+01 : f32
    %broadcast_in_dim3A_771 = vector.broadcast %jit3A_770 : f32 to vector<256x128xf32>
    %select_n3A_772 = arith.select %lt3A_769, %broadcast_in_dim3A_771, %select_n3A_766 : vector<256x128xi1>, vector<256x128xf32>
    %min3A_773 = arith.minimumf %slice3A_768, %min3A_767 : vector<256x128xf32>
    %slice3A_774 = vector.extract_strided_slice %dot_general3A_434 {offsets = [0, 7296], sizes = [256, 128], strides = [1, 1]} : vector<256x8192xf32> to vector<256x128xf32>
    %lt3A_775 = arith.cmpf olt, %slice3A_774, %min3A_773 : vector<256x128xf32>
    %jit3A_776 = arith.constant 5.700000e+01 : f32
    %broadcast_in_dim3A_777 = vector.broadcast %jit3A_776 : f32 to vector<256x128xf32>
    %select_n3A_778 = arith.select %lt3A_775, %broadcast_in_dim3A_777, %select_n3A_772 : vector<256x128xi1>, vector<256x128xf32>
    %min3A_779 = arith.minimumf %slice3A_774, %min3A_773 : vector<256x128xf32>
    %slice3A_780 = vector.extract_strided_slice %dot_general3A_434 {offsets = [0, 7424], sizes = [256, 128], strides = [1, 1]} : vector<256x8192xf32> to vector<256x128xf32>
    %lt3A_781 = arith.cmpf olt, %slice3A_780, %min3A_779 : vector<256x128xf32>
    %jit3A_782 = arith.constant 5.800000e+01 : f32
    %broadcast_in_dim3A_783 = vector.broadcast %jit3A_782 : f32 to vector<256x128xf32>
    %select_n3A_784 = arith.select %lt3A_781, %broadcast_in_dim3A_783, %select_n3A_778 : vector<256x128xi1>, vector<256x128xf32>
    %min3A_785 = arith.minimumf %slice3A_780, %min3A_779 : vector<256x128xf32>
    %slice3A_786 = vector.extract_strided_slice %dot_general3A_434 {offsets = [0, 7552], sizes = [256, 128], strides = [1, 1]} : vector<256x8192xf32> to vector<256x128xf32>
    %lt3A_787 = arith.cmpf olt, %slice3A_786, %min3A_785 : vector<256x128xf32>
    %jit3A_788 = arith.constant 5.900000e+01 : f32
    %broadcast_in_dim3A_789 = vector.broadcast %jit3A_788 : f32 to vector<256x128xf32>
    %select_n3A_790 = arith.select %lt3A_787, %broadcast_in_dim3A_789, %select_n3A_784 : vector<256x128xi1>, vector<256x128xf32>
    %min3A_791 = arith.minimumf %slice3A_786, %min3A_785 : vector<256x128xf32>
    %slice3A_792 = vector.extract_strided_slice %dot_general3A_434 {offsets = [0, 7680], sizes = [256, 128], strides = [1, 1]} : vector<256x8192xf32> to vector<256x128xf32>
    %lt3A_793 = arith.cmpf olt, %slice3A_792, %min3A_791 : vector<256x128xf32>
    %jit3A_794 = arith.constant 6.000000e+01 : f32
    %broadcast_in_dim3A_795 = vector.broadcast %jit3A_794 : f32 to vector<256x128xf32>
    %select_n3A_796 = arith.select %lt3A_793, %broadcast_in_dim3A_795, %select_n3A_790 : vector<256x128xi1>, vector<256x128xf32>
    %min3A_797 = arith.minimumf %slice3A_792, %min3A_791 : vector<256x128xf32>
    %slice3A_798 = vector.extract_strided_slice %dot_general3A_434 {offsets = [0, 7808], sizes = [256, 128], strides = [1, 1]} : vector<256x8192xf32> to vector<256x128xf32>
    %lt3A_799 = arith.cmpf olt, %slice3A_798, %min3A_797 : vector<256x128xf32>
    %jit3A_800 = arith.constant 6.100000e+01 : f32
    %broadcast_in_dim3A_801 = vector.broadcast %jit3A_800 : f32 to vector<256x128xf32>
    %select_n3A_802 = arith.select %lt3A_799, %broadcast_in_dim3A_801, %select_n3A_796 : vector<256x128xi1>, vector<256x128xf32>
    %min3A_803 = arith.minimumf %slice3A_798, %min3A_797 : vector<256x128xf32>
    %slice3A_804 = vector.extract_strided_slice %dot_general3A_434 {offsets = [0, 7936], sizes = [256, 128], strides = [1, 1]} : vector<256x8192xf32> to vector<256x128xf32>
    %lt3A_805 = arith.cmpf olt, %slice3A_804, %min3A_803 : vector<256x128xf32>
    %jit3A_806 = arith.constant 6.200000e+01 : f32
    %broadcast_in_dim3A_807 = vector.broadcast %jit3A_806 : f32 to vector<256x128xf32>
    %select_n3A_808 = arith.select %lt3A_805, %broadcast_in_dim3A_807, %select_n3A_802 : vector<256x128xi1>, vector<256x128xf32>
    %min3A_809 = arith.minimumf %slice3A_804, %min3A_803 : vector<256x128xf32>
    %slice3A_810 = vector.extract_strided_slice %dot_general3A_434 {offsets = [0, 8064], sizes = [256, 128], strides = [1, 1]} : vector<256x8192xf32> to vector<256x128xf32>
    %lt3A_811 = arith.cmpf olt, %slice3A_810, %min3A_809 : vector<256x128xf32>
    %jit3A_812 = arith.constant 6.300000e+01 : f32
    %broadcast_in_dim3A_813 = vector.broadcast %jit3A_812 : f32 to vector<256x128xf32>
    %select_n3A_814 = arith.select %lt3A_811, %broadcast_in_dim3A_813, %select_n3A_808 : vector<256x128xi1>, vector<256x128xf32>
    %min3A_815 = arith.minimumf %slice3A_810, %min3A_809 : vector<256x128xf32>
    %mul3A_816 = arith.constant 1.280000e+02 : f32
    %mul3A_817 = vector.broadcast %mul3A_816 : f32 to vector<256x128xf32>
    %mul3A_818 = arith.mulf %select_n3A_814, %mul3A_817 : vector<256x128xf32>
    %add3A_819 = arith.addf %mul3A_818, %convert_element_type3A_17 : vector<256x128xf32>
    %reduce_min3A_820 = arith.constant dense<0x7F800000> : vector<256xf32>
    %reduce_min3A_821 = vector.multi_reduction <minimumf>, %min3A_815, %reduce_min3A_820 [1] : vector<256x128xf32> to vector<256xf32>
    %broadcast_in_dim3A_822 = vector.shape_cast %reduce_min3A_821 : vector<256xf32> to vector<256x1xf32>
    %eq3A_823 = vector.broadcast %broadcast_in_dim3A_822 : vector<256x1xf32> to vector<256x128xf32>
    %eq3A_824 = arith.cmpf oeq, %min3A_815, %eq3A_823 : vector<256x128xf32>
    %jit3A_825 = arith.constant 6.553600e+04 : f32
    %broadcast_in_dim3A_826 = vector.broadcast %jit3A_825 : f32 to vector<256x128xf32>
    %select_n3A_827 = arith.select %eq3A_824, %add3A_819, %broadcast_in_dim3A_826 : vector<256x128xi1>, vector<256x128xf32>
    %reduce_min3A_828 = arith.constant dense<0x7F800000> : vector<256xf32>
    %reduce_min3A_829 = vector.multi_reduction <minimumf>, %select_n3A_827, %reduce_min3A_828 [1] : vector<256x128xf32> to vector<256xf32>
    %broadcast_in_dim3A_830 = vector.shape_cast %reduce_min3A_829 : vector<256xf32> to vector<256x1xf32>
    %eq3A_831 = vector.broadcast %broadcast_in_dim3A_830 : vector<256x1xf32> to vector<256x128xf32>
    %eq3A_832 = arith.cmpf oeq, %add3A_819, %eq3A_831 : vector<256x128xf32>
    %jit3A_833 = arith.constant 0x7F800000 : f32
    %broadcast_in_dim3A_834 = vector.broadcast %jit3A_833 : f32 to vector<256x128xf32>
    %select_n3A_835 = arith.select %eq3A_832, %broadcast_in_dim3A_834, %min3A_815 : vector<256x128xi1>, vector<256x128xf32>
    %reduce_min3A_836 = arith.constant dense<0x7F800000> : vector<256xf32>
    %reduce_min3A_837 = vector.multi_reduction <minimumf>, %select_n3A_835, %reduce_min3A_836 [1] : vector<256x128xf32> to vector<256xf32>
    %broadcast_in_dim3A_838 = vector.shape_cast %reduce_min3A_837 : vector<256xf32> to vector<256x1xf32>
    %eq3A_839 = vector.broadcast %broadcast_in_dim3A_838 : vector<256x1xf32> to vector<256x128xf32>
    %eq3A_840 = arith.cmpf oeq, %select_n3A_835, %eq3A_839 : vector<256x128xf32>
    %jit3A_841 = arith.constant 6.553600e+04 : f32
    %broadcast_in_dim3A_842 = vector.broadcast %jit3A_841 : f32 to vector<256x128xf32>
    %select_n3A_843 = arith.select %eq3A_840, %add3A_819, %broadcast_in_dim3A_842 : vector<256x128xi1>, vector<256x128xf32>
    %reduce_min3A_844 = arith.constant dense<0x7F800000> : vector<256xf32>
    %reduce_min3A_845 = vector.multi_reduction <minimumf>, %select_n3A_843, %reduce_min3A_844 [1] : vector<256x128xf32> to vector<256xf32>
    %broadcast_in_dim3A_846 = vector.shape_cast %reduce_min3A_845 : vector<256xf32> to vector<256x1xf32>
    %convert_element_type3A_847 = arith.fptosi %broadcast_in_dim3A_830 : vector<256x1xf32> to vector<256x1xi32>
    %swap3A_848 = arith.constant 256 : index
    %swap3A_849 = arith.constant 0 : index
    %swap3A_850 = vector.load %arg3[%swap3A_848, %swap3A_849] : memref<1024x1xi32, #tpu.memory_space<vmem>>, vector<256x1xi32>
    tpu.vector_store %arg3[%swap3A_848, %swap3A_849], %convert_element_type3A_847 {strides = array<i32>} : memref<1024x1xi32, #tpu.memory_space<vmem>>, vector<256x1xi32>,
    %convert_element_type3A_851 = arith.fptosi %broadcast_in_dim3A_846 : vector<256x1xf32> to vector<256x1xi32>
    %swap3A_852 = arith.constant 256 : index
    %swap3A_853 = arith.constant 0 : index
    %swap3A_854 = vector.load %arg4[%swap3A_852, %swap3A_853] : memref<1024x1xi32, #tpu.memory_space<vmem>>, vector<256x1xi32>
    tpu.vector_store %arg4[%swap3A_852, %swap3A_853], %convert_element_type3A_851 {strides = array<i32>} : memref<1024x1xi32, #tpu.memory_space<vmem>>, vector<256x1xi32>,
    %slice3A_855 = vector.extract_strided_slice %concatenate3A_13 {offsets = [512, 0], sizes = [256, 198], strides = [1, 1]} : vector<1024x198xbf16> to vector<256x198xbf16>
    %dot_general3A_856 = arith.constant dense<0.000000e+00> : vector<256x8192xf32>
    %dot_general3A_857 = tpu.matmul %slice3A_855, %get3A_16, %dot_general3A_856 {dimension_numbers = #tpu.dot_dimension_numbers<[1], [1], [0], [0], [0, 0, 1, 0], [], []>, transpose_lhs_hint = false} : vector<256x198xbf16>, vector<8192x198xbf16>, vector<256x8192xf32> -> vector<256x8192xf32>
    %slice3A_858 = vector.extract_strided_slice %dot_general3A_857 {offsets = [0, 0], sizes = [256, 128], strides = [1, 1]} : vector<256x8192xf32> to vector<256x128xf32>
    %broadcast_in_dim3A_859 = arith.constant 0.000000e+00 : f32
    %broadcast_in_dim3A_860 = vector.broadcast %broadcast_in_dim3A_859 : f32 to vector<256x128xf32>
    %slice3A_861 = vector.extract_strided_slice %dot_general3A_857 {offsets = [0, 128], sizes = [256, 128], strides = [1, 1]} : vector<256x8192xf32> to vector<256x128xf32>
    %lt3A_862 = arith.cmpf olt, %slice3A_861, %slice3A_858 : vector<256x128xf32>
    %jit3A_863 = arith.constant 1.000000e+00 : f32
    %broadcast_in_dim3A_864 = vector.broadcast %jit3A_863 : f32 to vector<256x128xf32>
    %select_n3A_865 = arith.select %lt3A_862, %broadcast_in_dim3A_864, %broadcast_in_dim3A_860 : vector<256x128xi1>, vector<256x128xf32>
    %min3A_866 = arith.minimumf %slice3A_861, %slice3A_858 : vector<256x128xf32>
    %slice3A_867 = vector.extract_strided_slice %dot_general3A_857 {offsets = [0, 256], sizes = [256, 128], strides = [1, 1]} : vector<256x8192xf32> to vector<256x128xf32>
    %lt3A_868 = arith.cmpf olt, %slice3A_867, %min3A_866 : vector<256x128xf32>
    %jit3A_869 = arith.constant 2.000000e+00 : f32
    %broadcast_in_dim3A_870 = vector.broadcast %jit3A_869 : f32 to vector<256x128xf32>
    %select_n3A_871 = arith.select %lt3A_868, %broadcast_in_dim3A_870, %select_n3A_865 : vector<256x128xi1>, vector<256x128xf32>
    %min3A_872 = arith.minimumf %slice3A_867, %min3A_866 : vector<256x128xf32>
    %slice3A_873 = vector.extract_strided_slice %dot_general3A_857 {offsets = [0, 384], sizes = [256, 128], strides = [1, 1]} : vector<256x8192xf32> to vector<256x128xf32>
    %lt3A_874 = arith.cmpf olt, %slice3A_873, %min3A_872 : vector<256x128xf32>
    %jit3A_875 = arith.constant 3.000000e+00 : f32
    %broadcast_in_dim3A_876 = vector.broadcast %jit3A_875 : f32 to vector<256x128xf32>
    %select_n3A_877 = arith.select %lt3A_874, %broadcast_in_dim3A_876, %select_n3A_871 : vector<256x128xi1>, vector<256x128xf32>
    %min3A_878 = arith.minimumf %slice3A_873, %min3A_872 : vector<256x128xf32>
    %slice3A_879 = vector.extract_strided_slice %dot_general3A_857 {offsets = [0, 512], sizes = [256, 128], strides = [1, 1]} : vector<256x8192xf32> to vector<256x128xf32>
    %lt3A_880 = arith.cmpf olt, %slice3A_879, %min3A_878 : vector<256x128xf32>
    %jit3A_881 = arith.constant 4.000000e+00 : f32
    %broadcast_in_dim3A_882 = vector.broadcast %jit3A_881 : f32 to vector<256x128xf32>
    %select_n3A_883 = arith.select %lt3A_880, %broadcast_in_dim3A_882, %select_n3A_877 : vector<256x128xi1>, vector<256x128xf32>
    %min3A_884 = arith.minimumf %slice3A_879, %min3A_878 : vector<256x128xf32>
    %slice3A_885 = vector.extract_strided_slice %dot_general3A_857 {offsets = [0, 640], sizes = [256, 128], strides = [1, 1]} : vector<256x8192xf32> to vector<256x128xf32>
    %lt3A_886 = arith.cmpf olt, %slice3A_885, %min3A_884 : vector<256x128xf32>
    %jit3A_887 = arith.constant 5.000000e+00 : f32
    %broadcast_in_dim3A_888 = vector.broadcast %jit3A_887 : f32 to vector<256x128xf32>
    %select_n3A_889 = arith.select %lt3A_886, %broadcast_in_dim3A_888, %select_n3A_883 : vector<256x128xi1>, vector<256x128xf32>
    %min3A_890 = arith.minimumf %slice3A_885, %min3A_884 : vector<256x128xf32>
    %slice3A_891 = vector.extract_strided_slice %dot_general3A_857 {offsets = [0, 768], sizes = [256, 128], strides = [1, 1]} : vector<256x8192xf32> to vector<256x128xf32>
    %lt3A_892 = arith.cmpf olt, %slice3A_891, %min3A_890 : vector<256x128xf32>
    %jit3A_893 = arith.constant 6.000000e+00 : f32
    %broadcast_in_dim3A_894 = vector.broadcast %jit3A_893 : f32 to vector<256x128xf32>
    %select_n3A_895 = arith.select %lt3A_892, %broadcast_in_dim3A_894, %select_n3A_889 : vector<256x128xi1>, vector<256x128xf32>
    %min3A_896 = arith.minimumf %slice3A_891, %min3A_890 : vector<256x128xf32>
    %slice3A_897 = vector.extract_strided_slice %dot_general3A_857 {offsets = [0, 896], sizes = [256, 128], strides = [1, 1]} : vector<256x8192xf32> to vector<256x128xf32>
    %lt3A_898 = arith.cmpf olt, %slice3A_897, %min3A_896 : vector<256x128xf32>
    %jit3A_899 = arith.constant 7.000000e+00 : f32
    %broadcast_in_dim3A_900 = vector.broadcast %jit3A_899 : f32 to vector<256x128xf32>
    %select_n3A_901 = arith.select %lt3A_898, %broadcast_in_dim3A_900, %select_n3A_895 : vector<256x128xi1>, vector<256x128xf32>
    %min3A_902 = arith.minimumf %slice3A_897, %min3A_896 : vector<256x128xf32>
    %slice3A_903 = vector.extract_strided_slice %dot_general3A_857 {offsets = [0, 1024], sizes = [256, 128], strides = [1, 1]} : vector<256x8192xf32> to vector<256x128xf32>
    %lt3A_904 = arith.cmpf olt, %slice3A_903, %min3A_902 : vector<256x128xf32>
    %jit3A_905 = arith.constant 8.000000e+00 : f32
    %broadcast_in_dim3A_906 = vector.broadcast %jit3A_905 : f32 to vector<256x128xf32>
    %select_n3A_907 = arith.select %lt3A_904, %broadcast_in_dim3A_906, %select_n3A_901 : vector<256x128xi1>, vector<256x128xf32>
    %min3A_908 = arith.minimumf %slice3A_903, %min3A_902 : vector<256x128xf32>
    %slice3A_909 = vector.extract_strided_slice %dot_general3A_857 {offsets = [0, 1152], sizes = [256, 128], strides = [1, 1]} : vector<256x8192xf32> to vector<256x128xf32>
    %lt3A_910 = arith.cmpf olt, %slice3A_909, %min3A_908 : vector<256x128xf32>
    %jit3A_911 = arith.constant 9.000000e+00 : f32
    %broadcast_in_dim3A_912 = vector.broadcast %jit3A_911 : f32 to vector<256x128xf32>
    %select_n3A_913 = arith.select %lt3A_910, %broadcast_in_dim3A_912, %select_n3A_907 : vector<256x128xi1>, vector<256x128xf32>
    %min3A_914 = arith.minimumf %slice3A_909, %min3A_908 : vector<256x128xf32>
    %slice3A_915 = vector.extract_strided_slice %dot_general3A_857 {offsets = [0, 1280], sizes = [256, 128], strides = [1, 1]} : vector<256x8192xf32> to vector<256x128xf32>
    %lt3A_916 = arith.cmpf olt, %slice3A_915, %min3A_914 : vector<256x128xf32>
    %jit3A_917 = arith.constant 1.000000e+01 : f32
    %broadcast_in_dim3A_918 = vector.broadcast %jit3A_917 : f32 to vector<256x128xf32>
    %select_n3A_919 = arith.select %lt3A_916, %broadcast_in_dim3A_918, %select_n3A_913 : vector<256x128xi1>, vector<256x128xf32>
    %min3A_920 = arith.minimumf %slice3A_915, %min3A_914 : vector<256x128xf32>
    %slice3A_921 = vector.extract_strided_slice %dot_general3A_857 {offsets = [0, 1408], sizes = [256, 128], strides = [1, 1]} : vector<256x8192xf32> to vector<256x128xf32>
    %lt3A_922 = arith.cmpf olt, %slice3A_921, %min3A_920 : vector<256x128xf32>
    %jit3A_923 = arith.constant 1.100000e+01 : f32
    %broadcast_in_dim3A_924 = vector.broadcast %jit3A_923 : f32 to vector<256x128xf32>
    %select_n3A_925 = arith.select %lt3A_922, %broadcast_in_dim3A_924, %select_n3A_919 : vector<256x128xi1>, vector<256x128xf32>
    %min3A_926 = arith.minimumf %slice3A_921, %min3A_920 : vector<256x128xf32>
    %slice3A_927 = vector.extract_strided_slice %dot_general3A_857 {offsets = [0, 1536], sizes = [256, 128], strides = [1, 1]} : vector<256x8192xf32> to vector<256x128xf32>
    %lt3A_928 = arith.cmpf olt, %slice3A_927, %min3A_926 : vector<256x128xf32>
    %jit3A_929 = arith.constant 1.200000e+01 : f32
    %broadcast_in_dim3A_930 = vector.broadcast %jit3A_929 : f32 to vector<256x128xf32>
    %select_n3A_931 = arith.select %lt3A_928, %broadcast_in_dim3A_930, %select_n3A_925 : vector<256x128xi1>, vector<256x128xf32>
    %min3A_932 = arith.minimumf %slice3A_927, %min3A_926 : vector<256x128xf32>
    %slice3A_933 = vector.extract_strided_slice %dot_general3A_857 {offsets = [0, 1664], sizes = [256, 128], strides = [1, 1]} : vector<256x8192xf32> to vector<256x128xf32>
    %lt3A_934 = arith.cmpf olt, %slice3A_933, %min3A_932 : vector<256x128xf32>
    %jit3A_935 = arith.constant 1.300000e+01 : f32
    %broadcast_in_dim3A_936 = vector.broadcast %jit3A_935 : f32 to vector<256x128xf32>
    %select_n3A_937 = arith.select %lt3A_934, %broadcast_in_dim3A_936, %select_n3A_931 : vector<256x128xi1>, vector<256x128xf32>
    %min3A_938 = arith.minimumf %slice3A_933, %min3A_932 : vector<256x128xf32>
    %slice3A_939 = vector.extract_strided_slice %dot_general3A_857 {offsets = [0, 1792], sizes = [256, 128], strides = [1, 1]} : vector<256x8192xf32> to vector<256x128xf32>
    %lt3A_940 = arith.cmpf olt, %slice3A_939, %min3A_938 : vector<256x128xf32>
    %jit3A_941 = arith.constant 1.400000e+01 : f32
    %broadcast_in_dim3A_942 = vector.broadcast %jit3A_941 : f32 to vector<256x128xf32>
    %select_n3A_943 = arith.select %lt3A_940, %broadcast_in_dim3A_942, %select_n3A_937 : vector<256x128xi1>, vector<256x128xf32>
    %min3A_944 = arith.minimumf %slice3A_939, %min3A_938 : vector<256x128xf32>
    %slice3A_945 = vector.extract_strided_slice %dot_general3A_857 {offsets = [0, 1920], sizes = [256, 128], strides = [1, 1]} : vector<256x8192xf32> to vector<256x128xf32>
    %lt3A_946 = arith.cmpf olt, %slice3A_945, %min3A_944 : vector<256x128xf32>
    %jit3A_947 = arith.constant 1.500000e+01 : f32
    %broadcast_in_dim3A_948 = vector.broadcast %jit3A_947 : f32 to vector<256x128xf32>
    %select_n3A_949 = arith.select %lt3A_946, %broadcast_in_dim3A_948, %select_n3A_943 : vector<256x128xi1>, vector<256x128xf32>
    %min3A_950 = arith.minimumf %slice3A_945, %min3A_944 : vector<256x128xf32>
    %slice3A_951 = vector.extract_strided_slice %dot_general3A_857 {offsets = [0, 2048], sizes = [256, 128], strides = [1, 1]} : vector<256x8192xf32> to vector<256x128xf32>
    %lt3A_952 = arith.cmpf olt, %slice3A_951, %min3A_950 : vector<256x128xf32>
    %jit3A_953 = arith.constant 1.600000e+01 : f32
    %broadcast_in_dim3A_954 = vector.broadcast %jit3A_953 : f32 to vector<256x128xf32>
    %select_n3A_955 = arith.select %lt3A_952, %broadcast_in_dim3A_954, %select_n3A_949 : vector<256x128xi1>, vector<256x128xf32>
    %min3A_956 = arith.minimumf %slice3A_951, %min3A_950 : vector<256x128xf32>
    %slice3A_957 = vector.extract_strided_slice %dot_general3A_857 {offsets = [0, 2176], sizes = [256, 128], strides = [1, 1]} : vector<256x8192xf32> to vector<256x128xf32>
    %lt3A_958 = arith.cmpf olt, %slice3A_957, %min3A_956 : vector<256x128xf32>
    %jit3A_959 = arith.constant 1.700000e+01 : f32
    %broadcast_in_dim3A_960 = vector.broadcast %jit3A_959 : f32 to vector<256x128xf32>
    %select_n3A_961 = arith.select %lt3A_958, %broadcast_in_dim3A_960, %select_n3A_955 : vector<256x128xi1>, vector<256x128xf32>
    %min3A_962 = arith.minimumf %slice3A_957, %min3A_956 : vector<256x128xf32>
    %slice3A_963 = vector.extract_strided_slice %dot_general3A_857 {offsets = [0, 2304], sizes = [256, 128], strides = [1, 1]} : vector<256x8192xf32> to vector<256x128xf32>
    %lt3A_964 = arith.cmpf olt, %slice3A_963, %min3A_962 : vector<256x128xf32>
    %jit3A_965 = arith.constant 1.800000e+01 : f32
    %broadcast_in_dim3A_966 = vector.broadcast %jit3A_965 : f32 to vector<256x128xf32>
    %select_n3A_967 = arith.select %lt3A_964, %broadcast_in_dim3A_966, %select_n3A_961 : vector<256x128xi1>, vector<256x128xf32>
    %min3A_968 = arith.minimumf %slice3A_963, %min3A_962 : vector<256x128xf32>
    %slice3A_969 = vector.extract_strided_slice %dot_general3A_857 {offsets = [0, 2432], sizes = [256, 128], strides = [1, 1]} : vector<256x8192xf32> to vector<256x128xf32>
    %lt3A_970 = arith.cmpf olt, %slice3A_969, %min3A_968 : vector<256x128xf32>
    %jit3A_971 = arith.constant 1.900000e+01 : f32
    %broadcast_in_dim3A_972 = vector.broadcast %jit3A_971 : f32 to vector<256x128xf32>
    %select_n3A_973 = arith.select %lt3A_970, %broadcast_in_dim3A_972, %select_n3A_967 : vector<256x128xi1>, vector<256x128xf32>
    %min3A_974 = arith.minimumf %slice3A_969, %min3A_968 : vector<256x128xf32>
    %slice3A_975 = vector.extract_strided_slice %dot_general3A_857 {offsets = [0, 2560], sizes = [256, 128], strides = [1, 1]} : vector<256x8192xf32> to vector<256x128xf32>
    %lt3A_976 = arith.cmpf olt, %slice3A_975, %min3A_974 : vector<256x128xf32>
    %jit3A_977 = arith.constant 2.000000e+01 : f32
    %broadcast_in_dim3A_978 = vector.broadcast %jit3A_977 : f32 to vector<256x128xf32>
    %select_n3A_979 = arith.select %lt3A_976, %broadcast_in_dim3A_978, %select_n3A_973 : vector<256x128xi1>, vector<256x128xf32>
    %min3A_980 = arith.minimumf %slice3A_975, %min3A_974 : vector<256x128xf32>
    %slice3A_981 = vector.extract_strided_slice %dot_general3A_857 {offsets = [0, 2688], sizes = [256, 128], strides = [1, 1]} : vector<256x8192xf32> to vector<256x128xf32>
    %lt3A_982 = arith.cmpf olt, %slice3A_981, %min3A_980 : vector<256x128xf32>
    %jit3A_983 = arith.constant 2.100000e+01 : f32
    %broadcast_in_dim3A_984 = vector.broadcast %jit3A_983 : f32 to vector<256x128xf32>
    %select_n3A_985 = arith.select %lt3A_982, %broadcast_in_dim3A_984, %select_n3A_979 : vector<256x128xi1>, vector<256x128xf32>
    %min3A_986 = arith.minimumf %slice3A_981, %min3A_980 : vector<256x128xf32>
    %slice3A_987 = vector.extract_strided_slice %dot_general3A_857 {offsets = [0, 2816], sizes = [256, 128], strides = [1, 1]} : vector<256x8192xf32> to vector<256x128xf32>
    %lt3A_988 = arith.cmpf olt, %slice3A_987, %min3A_986 : vector<256x128xf32>
    %jit3A_989 = arith.constant 2.200000e+01 : f32
    %broadcast_in_dim3A_990 = vector.broadcast %jit3A_989 : f32 to vector<256x128xf32>
    %select_n3A_991 = arith.select %lt3A_988, %broadcast_in_dim3A_990, %select_n3A_985 : vector<256x128xi1>, vector<256x128xf32>
    %min3A_992 = arith.minimumf %slice3A_987, %min3A_986 : vector<256x128xf32>
    %slice3A_993 = vector.extract_strided_slice %dot_general3A_857 {offsets = [0, 2944], sizes = [256, 128], strides = [1, 1]} : vector<256x8192xf32> to vector<256x128xf32>
    %lt3A_994 = arith.cmpf olt, %slice3A_993, %min3A_992 : vector<256x128xf32>
    %jit3A_995 = arith.constant 2.300000e+01 : f32
    %broadcast_in_dim3A_996 = vector.broadcast %jit3A_995 : f32 to vector<256x128xf32>
    %select_n3A_997 = arith.select %lt3A_994, %broadcast_in_dim3A_996, %select_n3A_991 : vector<256x128xi1>, vector<256x128xf32>
    %min3A_998 = arith.minimumf %slice3A_993, %min3A_992 : vector<256x128xf32>
    %slice3A_999 = vector.extract_strided_slice %dot_general3A_857 {offsets = [0, 3072], sizes = [256, 128], strides = [1, 1]} : vector<256x8192xf32> to vector<256x128xf32>
    %lt3A_1000 = arith.cmpf olt, %slice3A_999, %min3A_998 : vector<256x128xf32>
    %jit3A_1001 = arith.constant 2.400000e+01 : f32
    %broadcast_in_dim3A_1002 = vector.broadcast %jit3A_1001 : f32 to vector<256x128xf32>
    %select_n3A_1003 = arith.select %lt3A_1000, %broadcast_in_dim3A_1002, %select_n3A_997 : vector<256x128xi1>, vector<256x128xf32>
    %min3A_1004 = arith.minimumf %slice3A_999, %min3A_998 : vector<256x128xf32>
    %slice3A_1005 = vector.extract_strided_slice %dot_general3A_857 {offsets = [0, 3200], sizes = [256, 128], strides = [1, 1]} : vector<256x8192xf32> to vector<256x128xf32>
    %lt3A_1006 = arith.cmpf olt, %slice3A_1005, %min3A_1004 : vector<256x128xf32>
    %jit3A_1007 = arith.constant 2.500000e+01 : f32
    %broadcast_in_dim3A_1008 = vector.broadcast %jit3A_1007 : f32 to vector<256x128xf32>
    %select_n3A_1009 = arith.select %lt3A_1006, %broadcast_in_dim3A_1008, %select_n3A_1003 : vector<256x128xi1>, vector<256x128xf32>
    %min3A_1010 = arith.minimumf %slice3A_1005, %min3A_1004 : vector<256x128xf32>
    %slice3A_1011 = vector.extract_strided_slice %dot_general3A_857 {offsets = [0, 3328], sizes = [256, 128], strides = [1, 1]} : vector<256x8192xf32> to vector<256x128xf32>
    %lt3A_1012 = arith.cmpf olt, %slice3A_1011, %min3A_1010 : vector<256x128xf32>
    %jit3A_1013 = arith.constant 2.600000e+01 : f32
    %broadcast_in_dim3A_1014 = vector.broadcast %jit3A_1013 : f32 to vector<256x128xf32>
    %select_n3A_1015 = arith.select %lt3A_1012, %broadcast_in_dim3A_1014, %select_n3A_1009 : vector<256x128xi1>, vector<256x128xf32>
    %min3A_1016 = arith.minimumf %slice3A_1011, %min3A_1010 : vector<256x128xf32>
    %slice3A_1017 = vector.extract_strided_slice %dot_general3A_857 {offsets = [0, 3456], sizes = [256, 128], strides = [1, 1]} : vector<256x8192xf32> to vector<256x128xf32>
    %lt3A_1018 = arith.cmpf olt, %slice3A_1017, %min3A_1016 : vector<256x128xf32>
    %jit3A_1019 = arith.constant 2.700000e+01 : f32
    %broadcast_in_dim3A_1020 = vector.broadcast %jit3A_1019 : f32 to vector<256x128xf32>
    %select_n3A_1021 = arith.select %lt3A_1018, %broadcast_in_dim3A_1020, %select_n3A_1015 : vector<256x128xi1>, vector<256x128xf32>
    %min3A_1022 = arith.minimumf %slice3A_1017, %min3A_1016 : vector<256x128xf32>
    %slice3A_1023 = vector.extract_strided_slice %dot_general3A_857 {offsets = [0, 3584], sizes = [256, 128], strides = [1, 1]} : vector<256x8192xf32> to vector<256x128xf32>
    %lt3A_1024 = arith.cmpf olt, %slice3A_1023, %min3A_1022 : vector<256x128xf32>
    %jit3A_1025 = arith.constant 2.800000e+01 : f32
    %broadcast_in_dim3A_1026 = vector.broadcast %jit3A_1025 : f32 to vector<256x128xf32>
    %select_n3A_1027 = arith.select %lt3A_1024, %broadcast_in_dim3A_1026, %select_n3A_1021 : vector<256x128xi1>, vector<256x128xf32>
    %min3A_1028 = arith.minimumf %slice3A_1023, %min3A_1022 : vector<256x128xf32>
    %slice3A_1029 = vector.extract_strided_slice %dot_general3A_857 {offsets = [0, 3712], sizes = [256, 128], strides = [1, 1]} : vector<256x8192xf32> to vector<256x128xf32>
    %lt3A_1030 = arith.cmpf olt, %slice3A_1029, %min3A_1028 : vector<256x128xf32>
    %jit3A_1031 = arith.constant 2.900000e+01 : f32
    %broadcast_in_dim3A_1032 = vector.broadcast %jit3A_1031 : f32 to vector<256x128xf32>
    %select_n3A_1033 = arith.select %lt3A_1030, %broadcast_in_dim3A_1032, %select_n3A_1027 : vector<256x128xi1>, vector<256x128xf32>
    %min3A_1034 = arith.minimumf %slice3A_1029, %min3A_1028 : vector<256x128xf32>
    %slice3A_1035 = vector.extract_strided_slice %dot_general3A_857 {offsets = [0, 3840], sizes = [256, 128], strides = [1, 1]} : vector<256x8192xf32> to vector<256x128xf32>
    %lt3A_1036 = arith.cmpf olt, %slice3A_1035, %min3A_1034 : vector<256x128xf32>
    %jit3A_1037 = arith.constant 3.000000e+01 : f32
    %broadcast_in_dim3A_1038 = vector.broadcast %jit3A_1037 : f32 to vector<256x128xf32>
    %select_n3A_1039 = arith.select %lt3A_1036, %broadcast_in_dim3A_1038, %select_n3A_1033 : vector<256x128xi1>, vector<256x128xf32>
    %min3A_1040 = arith.minimumf %slice3A_1035, %min3A_1034 : vector<256x128xf32>
    %slice3A_1041 = vector.extract_strided_slice %dot_general3A_857 {offsets = [0, 3968], sizes = [256, 128], strides = [1, 1]} : vector<256x8192xf32> to vector<256x128xf32>
    %lt3A_1042 = arith.cmpf olt, %slice3A_1041, %min3A_1040 : vector<256x128xf32>
    %jit3A_1043 = arith.constant 3.100000e+01 : f32
    %broadcast_in_dim3A_1044 = vector.broadcast %jit3A_1043 : f32 to vector<256x128xf32>
    %select_n3A_1045 = arith.select %lt3A_1042, %broadcast_in_dim3A_1044, %select_n3A_1039 : vector<256x128xi1>, vector<256x128xf32>
    %min3A_1046 = arith.minimumf %slice3A_1041, %min3A_1040 : vector<256x128xf32>
    %slice3A_1047 = vector.extract_strided_slice %dot_general3A_857 {offsets = [0, 4096], sizes = [256, 128], strides = [1, 1]} : vector<256x8192xf32> to vector<256x128xf32>
    %lt3A_1048 = arith.cmpf olt, %slice3A_1047, %min3A_1046 : vector<256x128xf32>
    %jit3A_1049 = arith.constant 3.200000e+01 : f32
    %broadcast_in_dim3A_1050 = vector.broadcast %jit3A_1049 : f32 to vector<256x128xf32>
    %select_n3A_1051 = arith.select %lt3A_1048, %broadcast_in_dim3A_1050, %select_n3A_1045 : vector<256x128xi1>, vector<256x128xf32>
    %min3A_1052 = arith.minimumf %slice3A_1047, %min3A_1046 : vector<256x128xf32>
    %slice3A_1053 = vector.extract_strided_slice %dot_general3A_857 {offsets = [0, 4224], sizes = [256, 128], strides = [1, 1]} : vector<256x8192xf32> to vector<256x128xf32>
    %lt3A_1054 = arith.cmpf olt, %slice3A_1053, %min3A_1052 : vector<256x128xf32>
    %jit3A_1055 = arith.constant 3.300000e+01 : f32
    %broadcast_in_dim3A_1056 = vector.broadcast %jit3A_1055 : f32 to vector<256x128xf32>
    %select_n3A_1057 = arith.select %lt3A_1054, %broadcast_in_dim3A_1056, %select_n3A_1051 : vector<256x128xi1>, vector<256x128xf32>
    %min3A_1058 = arith.minimumf %slice3A_1053, %min3A_1052 : vector<256x128xf32>
    %slice3A_1059 = vector.extract_strided_slice %dot_general3A_857 {offsets = [0, 4352], sizes = [256, 128], strides = [1, 1]} : vector<256x8192xf32> to vector<256x128xf32>
    %lt3A_1060 = arith.cmpf olt, %slice3A_1059, %min3A_1058 : vector<256x128xf32>
    %jit3A_1061 = arith.constant 3.400000e+01 : f32
    %broadcast_in_dim3A_1062 = vector.broadcast %jit3A_1061 : f32 to vector<256x128xf32>
    %select_n3A_1063 = arith.select %lt3A_1060, %broadcast_in_dim3A_1062, %select_n3A_1057 : vector<256x128xi1>, vector<256x128xf32>
    %min3A_1064 = arith.minimumf %slice3A_1059, %min3A_1058 : vector<256x128xf32>
    %slice3A_1065 = vector.extract_strided_slice %dot_general3A_857 {offsets = [0, 4480], sizes = [256, 128], strides = [1, 1]} : vector<256x8192xf32> to vector<256x128xf32>
    %lt3A_1066 = arith.cmpf olt, %slice3A_1065, %min3A_1064 : vector<256x128xf32>
    %jit3A_1067 = arith.constant 3.500000e+01 : f32
    %broadcast_in_dim3A_1068 = vector.broadcast %jit3A_1067 : f32 to vector<256x128xf32>
    %select_n3A_1069 = arith.select %lt3A_1066, %broadcast_in_dim3A_1068, %select_n3A_1063 : vector<256x128xi1>, vector<256x128xf32>
    %min3A_1070 = arith.minimumf %slice3A_1065, %min3A_1064 : vector<256x128xf32>
    %slice3A_1071 = vector.extract_strided_slice %dot_general3A_857 {offsets = [0, 4608], sizes = [256, 128], strides = [1, 1]} : vector<256x8192xf32> to vector<256x128xf32>
    %lt3A_1072 = arith.cmpf olt, %slice3A_1071, %min3A_1070 : vector<256x128xf32>
    %jit3A_1073 = arith.constant 3.600000e+01 : f32
    %broadcast_in_dim3A_1074 = vector.broadcast %jit3A_1073 : f32 to vector<256x128xf32>
    %select_n3A_1075 = arith.select %lt3A_1072, %broadcast_in_dim3A_1074, %select_n3A_1069 : vector<256x128xi1>, vector<256x128xf32>
    %min3A_1076 = arith.minimumf %slice3A_1071, %min3A_1070 : vector<256x128xf32>
    %slice3A_1077 = vector.extract_strided_slice %dot_general3A_857 {offsets = [0, 4736], sizes = [256, 128], strides = [1, 1]} : vector<256x8192xf32> to vector<256x128xf32>
    %lt3A_1078 = arith.cmpf olt, %slice3A_1077, %min3A_1076 : vector<256x128xf32>
    %jit3A_1079 = arith.constant 3.700000e+01 : f32
    %broadcast_in_dim3A_1080 = vector.broadcast %jit3A_1079 : f32 to vector<256x128xf32>
    %select_n3A_1081 = arith.select %lt3A_1078, %broadcast_in_dim3A_1080, %select_n3A_1075 : vector<256x128xi1>, vector<256x128xf32>
    %min3A_1082 = arith.minimumf %slice3A_1077, %min3A_1076 : vector<256x128xf32>
    %slice3A_1083 = vector.extract_strided_slice %dot_general3A_857 {offsets = [0, 4864], sizes = [256, 128], strides = [1, 1]} : vector<256x8192xf32> to vector<256x128xf32>
    %lt3A_1084 = arith.cmpf olt, %slice3A_1083, %min3A_1082 : vector<256x128xf32>
    %jit3A_1085 = arith.constant 3.800000e+01 : f32
    %broadcast_in_dim3A_1086 = vector.broadcast %jit3A_1085 : f32 to vector<256x128xf32>
    %select_n3A_1087 = arith.select %lt3A_1084, %broadcast_in_dim3A_1086, %select_n3A_1081 : vector<256x128xi1>, vector<256x128xf32>
    %min3A_1088 = arith.minimumf %slice3A_1083, %min3A_1082 : vector<256x128xf32>
    %slice3A_1089 = vector.extract_strided_slice %dot_general3A_857 {offsets = [0, 4992], sizes = [256, 128], strides = [1, 1]} : vector<256x8192xf32> to vector<256x128xf32>
    %lt3A_1090 = arith.cmpf olt, %slice3A_1089, %min3A_1088 : vector<256x128xf32>
    %jit3A_1091 = arith.constant 3.900000e+01 : f32
    %broadcast_in_dim3A_1092 = vector.broadcast %jit3A_1091 : f32 to vector<256x128xf32>
    %select_n3A_1093 = arith.select %lt3A_1090, %broadcast_in_dim3A_1092, %select_n3A_1087 : vector<256x128xi1>, vector<256x128xf32>
    %min3A_1094 = arith.minimumf %slice3A_1089, %min3A_1088 : vector<256x128xf32>
    %slice3A_1095 = vector.extract_strided_slice %dot_general3A_857 {offsets = [0, 5120], sizes = [256, 128], strides = [1, 1]} : vector<256x8192xf32> to vector<256x128xf32>
    %lt3A_1096 = arith.cmpf olt, %slice3A_1095, %min3A_1094 : vector<256x128xf32>
    %jit3A_1097 = arith.constant 4.000000e+01 : f32
    %broadcast_in_dim3A_1098 = vector.broadcast %jit3A_1097 : f32 to vector<256x128xf32>
    %select_n3A_1099 = arith.select %lt3A_1096, %broadcast_in_dim3A_1098, %select_n3A_1093 : vector<256x128xi1>, vector<256x128xf32>
    %min3A_1100 = arith.minimumf %slice3A_1095, %min3A_1094 : vector<256x128xf32>
    %slice3A_1101 = vector.extract_strided_slice %dot_general3A_857 {offsets = [0, 5248], sizes = [256, 128], strides = [1, 1]} : vector<256x8192xf32> to vector<256x128xf32>
    %lt3A_1102 = arith.cmpf olt, %slice3A_1101, %min3A_1100 : vector<256x128xf32>
    %jit3A_1103 = arith.constant 4.100000e+01 : f32
    %broadcast_in_dim3A_1104 = vector.broadcast %jit3A_1103 : f32 to vector<256x128xf32>
    %select_n3A_1105 = arith.select %lt3A_1102, %broadcast_in_dim3A_1104, %select_n3A_1099 : vector<256x128xi1>, vector<256x128xf32>
    %min3A_1106 = arith.minimumf %slice3A_1101, %min3A_1100 : vector<256x128xf32>
    %slice3A_1107 = vector.extract_strided_slice %dot_general3A_857 {offsets = [0, 5376], sizes = [256, 128], strides = [1, 1]} : vector<256x8192xf32> to vector<256x128xf32>
    %lt3A_1108 = arith.cmpf olt, %slice3A_1107, %min3A_1106 : vector<256x128xf32>
    %jit3A_1109 = arith.constant 4.200000e+01 : f32
    %broadcast_in_dim3A_1110 = vector.broadcast %jit3A_1109 : f32 to vector<256x128xf32>
    %select_n3A_1111 = arith.select %lt3A_1108, %broadcast_in_dim3A_1110, %select_n3A_1105 : vector<256x128xi1>, vector<256x128xf32>
    %min3A_1112 = arith.minimumf %slice3A_1107, %min3A_1106 : vector<256x128xf32>
    %slice3A_1113 = vector.extract_strided_slice %dot_general3A_857 {offsets = [0, 5504], sizes = [256, 128], strides = [1, 1]} : vector<256x8192xf32> to vector<256x128xf32>
    %lt3A_1114 = arith.cmpf olt, %slice3A_1113, %min3A_1112 : vector<256x128xf32>
    %jit3A_1115 = arith.constant 4.300000e+01 : f32
    %broadcast_in_dim3A_1116 = vector.broadcast %jit3A_1115 : f32 to vector<256x128xf32>
    %select_n3A_1117 = arith.select %lt3A_1114, %broadcast_in_dim3A_1116, %select_n3A_1111 : vector<256x128xi1>, vector<256x128xf32>
    %min3A_1118 = arith.minimumf %slice3A_1113, %min3A_1112 : vector<256x128xf32>
    %slice3A_1119 = vector.extract_strided_slice %dot_general3A_857 {offsets = [0, 5632], sizes = [256, 128], strides = [1, 1]} : vector<256x8192xf32> to vector<256x128xf32>
    %lt3A_1120 = arith.cmpf olt, %slice3A_1119, %min3A_1118 : vector<256x128xf32>
    %jit3A_1121 = arith.constant 4.400000e+01 : f32
    %broadcast_in_dim3A_1122 = vector.broadcast %jit3A_1121 : f32 to vector<256x128xf32>
    %select_n3A_1123 = arith.select %lt3A_1120, %broadcast_in_dim3A_1122, %select_n3A_1117 : vector<256x128xi1>, vector<256x128xf32>
    %min3A_1124 = arith.minimumf %slice3A_1119, %min3A_1118 : vector<256x128xf32>
    %slice3A_1125 = vector.extract_strided_slice %dot_general3A_857 {offsets = [0, 5760], sizes = [256, 128], strides = [1, 1]} : vector<256x8192xf32> to vector<256x128xf32>
    %lt3A_1126 = arith.cmpf olt, %slice3A_1125, %min3A_1124 : vector<256x128xf32>
    %jit3A_1127 = arith.constant 4.500000e+01 : f32
    %broadcast_in_dim3A_1128 = vector.broadcast %jit3A_1127 : f32 to vector<256x128xf32>
    %select_n3A_1129 = arith.select %lt3A_1126, %broadcast_in_dim3A_1128, %select_n3A_1123 : vector<256x128xi1>, vector<256x128xf32>
    %min3A_1130 = arith.minimumf %slice3A_1125, %min3A_1124 : vector<256x128xf32>
    %slice3A_1131 = vector.extract_strided_slice %dot_general3A_857 {offsets = [0, 5888], sizes = [256, 128], strides = [1, 1]} : vector<256x8192xf32> to vector<256x128xf32>
    %lt3A_1132 = arith.cmpf olt, %slice3A_1131, %min3A_1130 : vector<256x128xf32>
    %jit3A_1133 = arith.constant 4.600000e+01 : f32
    %broadcast_in_dim3A_1134 = vector.broadcast %jit3A_1133 : f32 to vector<256x128xf32>
    %select_n3A_1135 = arith.select %lt3A_1132, %broadcast_in_dim3A_1134, %select_n3A_1129 : vector<256x128xi1>, vector<256x128xf32>
    %min3A_1136 = arith.minimumf %slice3A_1131, %min3A_1130 : vector<256x128xf32>
    %slice3A_1137 = vector.extract_strided_slice %dot_general3A_857 {offsets = [0, 6016], sizes = [256, 128], strides = [1, 1]} : vector<256x8192xf32> to vector<256x128xf32>
    %lt3A_1138 = arith.cmpf olt, %slice3A_1137, %min3A_1136 : vector<256x128xf32>
    %jit3A_1139 = arith.constant 4.700000e+01 : f32
    %broadcast_in_dim3A_1140 = vector.broadcast %jit3A_1139 : f32 to vector<256x128xf32>
    %select_n3A_1141 = arith.select %lt3A_1138, %broadcast_in_dim3A_1140, %select_n3A_1135 : vector<256x128xi1>, vector<256x128xf32>
    %min3A_1142 = arith.minimumf %slice3A_1137, %min3A_1136 : vector<256x128xf32>
    %slice3A_1143 = vector.extract_strided_slice %dot_general3A_857 {offsets = [0, 6144], sizes = [256, 128], strides = [1, 1]} : vector<256x8192xf32> to vector<256x128xf32>
    %lt3A_1144 = arith.cmpf olt, %slice3A_1143, %min3A_1142 : vector<256x128xf32>
    %jit3A_1145 = arith.constant 4.800000e+01 : f32
    %broadcast_in_dim3A_1146 = vector.broadcast %jit3A_1145 : f32 to vector<256x128xf32>
    %select_n3A_1147 = arith.select %lt3A_1144, %broadcast_in_dim3A_1146, %select_n3A_1141 : vector<256x128xi1>, vector<256x128xf32>
    %min3A_1148 = arith.minimumf %slice3A_1143, %min3A_1142 : vector<256x128xf32>
    %slice3A_1149 = vector.extract_strided_slice %dot_general3A_857 {offsets = [0, 6272], sizes = [256, 128], strides = [1, 1]} : vector<256x8192xf32> to vector<256x128xf32>
    %lt3A_1150 = arith.cmpf olt, %slice3A_1149, %min3A_1148 : vector<256x128xf32>
    %jit3A_1151 = arith.constant 4.900000e+01 : f32
    %broadcast_in_dim3A_1152 = vector.broadcast %jit3A_1151 : f32 to vector<256x128xf32>
    %select_n3A_1153 = arith.select %lt3A_1150, %broadcast_in_dim3A_1152, %select_n3A_1147 : vector<256x128xi1>, vector<256x128xf32>
    %min3A_1154 = arith.minimumf %slice3A_1149, %min3A_1148 : vector<256x128xf32>
    %slice3A_1155 = vector.extract_strided_slice %dot_general3A_857 {offsets = [0, 6400], sizes = [256, 128], strides = [1, 1]} : vector<256x8192xf32> to vector<256x128xf32>
    %lt3A_1156 = arith.cmpf olt, %slice3A_1155, %min3A_1154 : vector<256x128xf32>
    %jit3A_1157 = arith.constant 5.000000e+01 : f32
    %broadcast_in_dim3A_1158 = vector.broadcast %jit3A_1157 : f32 to vector<256x128xf32>
    %select_n3A_1159 = arith.select %lt3A_1156, %broadcast_in_dim3A_1158, %select_n3A_1153 : vector<256x128xi1>, vector<256x128xf32>
    %min3A_1160 = arith.minimumf %slice3A_1155, %min3A_1154 : vector<256x128xf32>
    %slice3A_1161 = vector.extract_strided_slice %dot_general3A_857 {offsets = [0, 6528], sizes = [256, 128], strides = [1, 1]} : vector<256x8192xf32> to vector<256x128xf32>
    %lt3A_1162 = arith.cmpf olt, %slice3A_1161, %min3A_1160 : vector<256x128xf32>
    %jit3A_1163 = arith.constant 5.100000e+01 : f32
    %broadcast_in_dim3A_1164 = vector.broadcast %jit3A_1163 : f32 to vector<256x128xf32>
    %select_n3A_1165 = arith.select %lt3A_1162, %broadcast_in_dim3A_1164, %select_n3A_1159 : vector<256x128xi1>, vector<256x128xf32>
    %min3A_1166 = arith.minimumf %slice3A_1161, %min3A_1160 : vector<256x128xf32>
    %slice3A_1167 = vector.extract_strided_slice %dot_general3A_857 {offsets = [0, 6656], sizes = [256, 128], strides = [1, 1]} : vector<256x8192xf32> to vector<256x128xf32>
    %lt3A_1168 = arith.cmpf olt, %slice3A_1167, %min3A_1166 : vector<256x128xf32>
    %jit3A_1169 = arith.constant 5.200000e+01 : f32
    %broadcast_in_dim3A_1170 = vector.broadcast %jit3A_1169 : f32 to vector<256x128xf32>
    %select_n3A_1171 = arith.select %lt3A_1168, %broadcast_in_dim3A_1170, %select_n3A_1165 : vector<256x128xi1>, vector<256x128xf32>
    %min3A_1172 = arith.minimumf %slice3A_1167, %min3A_1166 : vector<256x128xf32>
    %slice3A_1173 = vector.extract_strided_slice %dot_general3A_857 {offsets = [0, 6784], sizes = [256, 128], strides = [1, 1]} : vector<256x8192xf32> to vector<256x128xf32>
    %lt3A_1174 = arith.cmpf olt, %slice3A_1173, %min3A_1172 : vector<256x128xf32>
    %jit3A_1175 = arith.constant 5.300000e+01 : f32
    %broadcast_in_dim3A_1176 = vector.broadcast %jit3A_1175 : f32 to vector<256x128xf32>
    %select_n3A_1177 = arith.select %lt3A_1174, %broadcast_in_dim3A_1176, %select_n3A_1171 : vector<256x128xi1>, vector<256x128xf32>
    %min3A_1178 = arith.minimumf %slice3A_1173, %min3A_1172 : vector<256x128xf32>
    %slice3A_1179 = vector.extract_strided_slice %dot_general3A_857 {offsets = [0, 6912], sizes = [256, 128], strides = [1, 1]} : vector<256x8192xf32> to vector<256x128xf32>
    %lt3A_1180 = arith.cmpf olt, %slice3A_1179, %min3A_1178 : vector<256x128xf32>
    %jit3A_1181 = arith.constant 5.400000e+01 : f32
    %broadcast_in_dim3A_1182 = vector.broadcast %jit3A_1181 : f32 to vector<256x128xf32>
    %select_n3A_1183 = arith.select %lt3A_1180, %broadcast_in_dim3A_1182, %select_n3A_1177 : vector<256x128xi1>, vector<256x128xf32>
    %min3A_1184 = arith.minimumf %slice3A_1179, %min3A_1178 : vector<256x128xf32>
    %slice3A_1185 = vector.extract_strided_slice %dot_general3A_857 {offsets = [0, 7040], sizes = [256, 128], strides = [1, 1]} : vector<256x8192xf32> to vector<256x128xf32>
    %lt3A_1186 = arith.cmpf olt, %slice3A_1185, %min3A_1184 : vector<256x128xf32>
    %jit3A_1187 = arith.constant 5.500000e+01 : f32
    %broadcast_in_dim3A_1188 = vector.broadcast %jit3A_1187 : f32 to vector<256x128xf32>
    %select_n3A_1189 = arith.select %lt3A_1186, %broadcast_in_dim3A_1188, %select_n3A_1183 : vector<256x128xi1>, vector<256x128xf32>
    %min3A_1190 = arith.minimumf %slice3A_1185, %min3A_1184 : vector<256x128xf32>
    %slice3A_1191 = vector.extract_strided_slice %dot_general3A_857 {offsets = [0, 7168], sizes = [256, 128], strides = [1, 1]} : vector<256x8192xf32> to vector<256x128xf32>
    %lt3A_1192 = arith.cmpf olt, %slice3A_1191, %min3A_1190 : vector<256x128xf32>
    %jit3A_1193 = arith.constant 5.600000e+01 : f32
    %broadcast_in_dim3A_1194 = vector.broadcast %jit3A_1193 : f32 to vector<256x128xf32>
    %select_n3A_1195 = arith.select %lt3A_1192, %broadcast_in_dim3A_1194, %select_n3A_1189 : vector<256x128xi1>, vector<256x128xf32>
    %min3A_1196 = arith.minimumf %slice3A_1191, %min3A_1190 : vector<256x128xf32>
    %slice3A_1197 = vector.extract_strided_slice %dot_general3A_857 {offsets = [0, 7296], sizes = [256, 128], strides = [1, 1]} : vector<256x8192xf32> to vector<256x128xf32>
    %lt3A_1198 = arith.cmpf olt, %slice3A_1197, %min3A_1196 : vector<256x128xf32>
    %jit3A_1199 = arith.constant 5.700000e+01 : f32
    %broadcast_in_dim3A_1200 = vector.broadcast %jit3A_1199 : f32 to vector<256x128xf32>
    %select_n3A_1201 = arith.select %lt3A_1198, %broadcast_in_dim3A_1200, %select_n3A_1195 : vector<256x128xi1>, vector<256x128xf32>
    %min3A_1202 = arith.minimumf %slice3A_1197, %min3A_1196 : vector<256x128xf32>
    %slice3A_1203 = vector.extract_strided_slice %dot_general3A_857 {offsets = [0, 7424], sizes = [256, 128], strides = [1, 1]} : vector<256x8192xf32> to vector<256x128xf32>
    %lt3A_1204 = arith.cmpf olt, %slice3A_1203, %min3A_1202 : vector<256x128xf32>
    %jit3A_1205 = arith.constant 5.800000e+01 : f32
    %broadcast_in_dim3A_1206 = vector.broadcast %jit3A_1205 : f32 to vector<256x128xf32>
    %select_n3A_1207 = arith.select %lt3A_1204, %broadcast_in_dim3A_1206, %select_n3A_1201 : vector<256x128xi1>, vector<256x128xf32>
    %min3A_1208 = arith.minimumf %slice3A_1203, %min3A_1202 : vector<256x128xf32>
    %slice3A_1209 = vector.extract_strided_slice %dot_general3A_857 {offsets = [0, 7552], sizes = [256, 128], strides = [1, 1]} : vector<256x8192xf32> to vector<256x128xf32>
    %lt3A_1210 = arith.cmpf olt, %slice3A_1209, %min3A_1208 : vector<256x128xf32>
    %jit3A_1211 = arith.constant 5.900000e+01 : f32
    %broadcast_in_dim3A_1212 = vector.broadcast %jit3A_1211 : f32 to vector<256x128xf32>
    %select_n3A_1213 = arith.select %lt3A_1210, %broadcast_in_dim3A_1212, %select_n3A_1207 : vector<256x128xi1>, vector<256x128xf32>
    %min3A_1214 = arith.minimumf %slice3A_1209, %min3A_1208 : vector<256x128xf32>
    %slice3A_1215 = vector.extract_strided_slice %dot_general3A_857 {offsets = [0, 7680], sizes = [256, 128], strides = [1, 1]} : vector<256x8192xf32> to vector<256x128xf32>
    %lt3A_1216 = arith.cmpf olt, %slice3A_1215, %min3A_1214 : vector<256x128xf32>
    %jit3A_1217 = arith.constant 6.000000e+01 : f32
    %broadcast_in_dim3A_1218 = vector.broadcast %jit3A_1217 : f32 to vector<256x128xf32>
    %select_n3A_1219 = arith.select %lt3A_1216, %broadcast_in_dim3A_1218, %select_n3A_1213 : vector<256x128xi1>, vector<256x128xf32>
    %min3A_1220 = arith.minimumf %slice3A_1215, %min3A_1214 : vector<256x128xf32>
    %slice3A_1221 = vector.extract_strided_slice %dot_general3A_857 {offsets = [0, 7808], sizes = [256, 128], strides = [1, 1]} : vector<256x8192xf32> to vector<256x128xf32>
    %lt3A_1222 = arith.cmpf olt, %slice3A_1221, %min3A_1220 : vector<256x128xf32>
    %jit3A_1223 = arith.constant 6.100000e+01 : f32
    %broadcast_in_dim3A_1224 = vector.broadcast %jit3A_1223 : f32 to vector<256x128xf32>
    %select_n3A_1225 = arith.select %lt3A_1222, %broadcast_in_dim3A_1224, %select_n3A_1219 : vector<256x128xi1>, vector<256x128xf32>
    %min3A_1226 = arith.minimumf %slice3A_1221, %min3A_1220 : vector<256x128xf32>
    %slice3A_1227 = vector.extract_strided_slice %dot_general3A_857 {offsets = [0, 7936], sizes = [256, 128], strides = [1, 1]} : vector<256x8192xf32> to vector<256x128xf32>
    %lt3A_1228 = arith.cmpf olt, %slice3A_1227, %min3A_1226 : vector<256x128xf32>
    %jit3A_1229 = arith.constant 6.200000e+01 : f32
    %broadcast_in_dim3A_1230 = vector.broadcast %jit3A_1229 : f32 to vector<256x128xf32>
    %select_n3A_1231 = arith.select %lt3A_1228, %broadcast_in_dim3A_1230, %select_n3A_1225 : vector<256x128xi1>, vector<256x128xf32>
    %min3A_1232 = arith.minimumf %slice3A_1227, %min3A_1226 : vector<256x128xf32>
    %slice3A_1233 = vector.extract_strided_slice %dot_general3A_857 {offsets = [0, 8064], sizes = [256, 128], strides = [1, 1]} : vector<256x8192xf32> to vector<256x128xf32>
    %lt3A_1234 = arith.cmpf olt, %slice3A_1233, %min3A_1232 : vector<256x128xf32>
    %jit3A_1235 = arith.constant 6.300000e+01 : f32
    %broadcast_in_dim3A_1236 = vector.broadcast %jit3A_1235 : f32 to vector<256x128xf32>
    %select_n3A_1237 = arith.select %lt3A_1234, %broadcast_in_dim3A_1236, %select_n3A_1231 : vector<256x128xi1>, vector<256x128xf32>
    %min3A_1238 = arith.minimumf %slice3A_1233, %min3A_1232 : vector<256x128xf32>
    %mul3A_1239 = arith.constant 1.280000e+02 : f32
    %mul3A_1240 = vector.broadcast %mul3A_1239 : f32 to vector<256x128xf32>
    %mul3A_1241 = arith.mulf %select_n3A_1237, %mul3A_1240 : vector<256x128xf32>
    %add3A_1242 = arith.addf %mul3A_1241, %convert_element_type3A_17 : vector<256x128xf32>
    %reduce_min3A_1243 = arith.constant dense<0x7F800000> : vector<256xf32>
    %reduce_min3A_1244 = vector.multi_reduction <minimumf>, %min3A_1238, %reduce_min3A_1243 [1] : vector<256x128xf32> to vector<256xf32>
    %broadcast_in_dim3A_1245 = vector.shape_cast %reduce_min3A_1244 : vector<256xf32> to vector<256x1xf32>
    %eq3A_1246 = vector.broadcast %broadcast_in_dim3A_1245 : vector<256x1xf32> to vector<256x128xf32>
    %eq3A_1247 = arith.cmpf oeq, %min3A_1238, %eq3A_1246 : vector<256x128xf32>
    %jit3A_1248 = arith.constant 6.553600e+04 : f32
    %broadcast_in_dim3A_1249 = vector.broadcast %jit3A_1248 : f32 to vector<256x128xf32>
    %select_n3A_1250 = arith.select %eq3A_1247, %add3A_1242, %broadcast_in_dim3A_1249 : vector<256x128xi1>, vector<256x128xf32>
    %reduce_min3A_1251 = arith.constant dense<0x7F800000> : vector<256xf32>
    %reduce_min3A_1252 = vector.multi_reduction <minimumf>, %select_n3A_1250, %reduce_min3A_1251 [1] : vector<256x128xf32> to vector<256xf32>
    %broadcast_in_dim3A_1253 = vector.shape_cast %reduce_min3A_1252 : vector<256xf32> to vector<256x1xf32>
    %eq3A_1254 = vector.broadcast %broadcast_in_dim3A_1253 : vector<256x1xf32> to vector<256x128xf32>
    %eq3A_1255 = arith.cmpf oeq, %add3A_1242, %eq3A_1254 : vector<256x128xf32>
    %jit3A_1256 = arith.constant 0x7F800000 : f32
    %broadcast_in_dim3A_1257 = vector.broadcast %jit3A_1256 : f32 to vector<256x128xf32>
    %select_n3A_1258 = arith.select %eq3A_1255, %broadcast_in_dim3A_1257, %min3A_1238 : vector<256x128xi1>, vector<256x128xf32>
    %reduce_min3A_1259 = arith.constant dense<0x7F800000> : vector<256xf32>
    %reduce_min3A_1260 = vector.multi_reduction <minimumf>, %select_n3A_1258, %reduce_min3A_1259 [1] : vector<256x128xf32> to vector<256xf32>
    %broadcast_in_dim3A_1261 = vector.shape_cast %reduce_min3A_1260 : vector<256xf32> to vector<256x1xf32>
    %eq3A_1262 = vector.broadcast %broadcast_in_dim3A_1261 : vector<256x1xf32> to vector<256x128xf32>
    %eq3A_1263 = arith.cmpf oeq, %select_n3A_1258, %eq3A_1262 : vector<256x128xf32>
    %jit3A_1264 = arith.constant 6.553600e+04 : f32
    %broadcast_in_dim3A_1265 = vector.broadcast %jit3A_1264 : f32 to vector<256x128xf32>
    %select_n3A_1266 = arith.select %eq3A_1263, %add3A_1242, %broadcast_in_dim3A_1265 : vector<256x128xi1>, vector<256x128xf32>
    %reduce_min3A_1267 = arith.constant dense<0x7F800000> : vector<256xf32>
    %reduce_min3A_1268 = vector.multi_reduction <minimumf>, %select_n3A_1266, %reduce_min3A_1267 [1] : vector<256x128xf32> to vector<256xf32>
    %broadcast_in_dim3A_1269 = vector.shape_cast %reduce_min3A_1268 : vector<256xf32> to vector<256x1xf32>
    %convert_element_type3A_1270 = arith.fptosi %broadcast_in_dim3A_1253 : vector<256x1xf32> to vector<256x1xi32>
    %swap3A_1271 = arith.constant 512 : index
    %swap3A_1272 = arith.constant 0 : index
    %swap3A_1273 = vector.load %arg3[%swap3A_1271, %swap3A_1272] : memref<1024x1xi32, #tpu.memory_space<vmem>>, vector<256x1xi32>
    tpu.vector_store %arg3[%swap3A_1271, %swap3A_1272], %convert_element_type3A_1270 {strides = array<i32>} : memref<1024x1xi32, #tpu.memory_space<vmem>>, vector<256x1xi32>,
    %convert_element_type3A_1274 = arith.fptosi %broadcast_in_dim3A_1269 : vector<256x1xf32> to vector<256x1xi32>
    %swap3A_1275 = arith.constant 512 : index
    %swap3A_1276 = arith.constant 0 : index
    %swap3A_1277 = vector.load %arg4[%swap3A_1275, %swap3A_1276] : memref<1024x1xi32, #tpu.memory_space<vmem>>, vector<256x1xi32>
    tpu.vector_store %arg4[%swap3A_1275, %swap3A_1276], %convert_element_type3A_1274 {strides = array<i32>} : memref<1024x1xi32, #tpu.memory_space<vmem>>, vector<256x1xi32>,
    %slice3A_1278 = vector.extract_strided_slice %concatenate3A_13 {offsets = [768, 0], sizes = [256, 198], strides = [1, 1]} : vector<1024x198xbf16> to vector<256x198xbf16>
    %dot_general3A_1279 = arith.constant dense<0.000000e+00> : vector<256x8192xf32>
    %dot_general3A_1280 = tpu.matmul %slice3A_1278, %get3A_16, %dot_general3A_1279 {dimension_numbers = #tpu.dot_dimension_numbers<[1], [1], [0], [0], [0, 0, 1, 0], [], []>, transpose_lhs_hint = false} : vector<256x198xbf16>, vector<8192x198xbf16>, vector<256x8192xf32> -> vector<256x8192xf32>
    %slice3A_1281 = vector.extract_strided_slice %dot_general3A_1280 {offsets = [0, 0], sizes = [256, 128], strides = [1, 1]} : vector<256x8192xf32> to vector<256x128xf32>
    %broadcast_in_dim3A_1282 = arith.constant 0.000000e+00 : f32
    %broadcast_in_dim3A_1283 = vector.broadcast %broadcast_in_dim3A_1282 : f32 to vector<256x128xf32>
    %slice3A_1284 = vector.extract_strided_slice %dot_general3A_1280 {offsets = [0, 128], sizes = [256, 128], strides = [1, 1]} : vector<256x8192xf32> to vector<256x128xf32>
    %lt3A_1285 = arith.cmpf olt, %slice3A_1284, %slice3A_1281 : vector<256x128xf32>
    %jit3A_1286 = arith.constant 1.000000e+00 : f32
    %broadcast_in_dim3A_1287 = vector.broadcast %jit3A_1286 : f32 to vector<256x128xf32>
    %select_n3A_1288 = arith.select %lt3A_1285, %broadcast_in_dim3A_1287, %broadcast_in_dim3A_1283 : vector<256x128xi1>, vector<256x128xf32>
    %min3A_1289 = arith.minimumf %slice3A_1284, %slice3A_1281 : vector<256x128xf32>
    %slice3A_1290 = vector.extract_strided_slice %dot_general3A_1280 {offsets = [0, 256], sizes = [256, 128], strides = [1, 1]} : vector<256x8192xf32> to vector<256x128xf32>
    %lt3A_1291 = arith.cmpf olt, %slice3A_1290, %min3A_1289 : vector<256x128xf32>
    %jit3A_1292 = arith.constant 2.000000e+00 : f32
    %broadcast_in_dim3A_1293 = vector.broadcast %jit3A_1292 : f32 to vector<256x128xf32>
    %select_n3A_1294 = arith.select %lt3A_1291, %broadcast_in_dim3A_1293, %select_n3A_1288 : vector<256x128xi1>, vector<256x128xf32>
    %min3A_1295 = arith.minimumf %slice3A_1290, %min3A_1289 : vector<256x128xf32>
    %slice3A_1296 = vector.extract_strided_slice %dot_general3A_1280 {offsets = [0, 384], sizes = [256, 128], strides = [1, 1]} : vector<256x8192xf32> to vector<256x128xf32>
    %lt3A_1297 = arith.cmpf olt, %slice3A_1296, %min3A_1295 : vector<256x128xf32>
    %jit3A_1298 = arith.constant 3.000000e+00 : f32
    %broadcast_in_dim3A_1299 = vector.broadcast %jit3A_1298 : f32 to vector<256x128xf32>
    %select_n3A_1300 = arith.select %lt3A_1297, %broadcast_in_dim3A_1299, %select_n3A_1294 : vector<256x128xi1>, vector<256x128xf32>
    %min3A_1301 = arith.minimumf %slice3A_1296, %min3A_1295 : vector<256x128xf32>
    %slice3A_1302 = vector.extract_strided_slice %dot_general3A_1280 {offsets = [0, 512], sizes = [256, 128], strides = [1, 1]} : vector<256x8192xf32> to vector<256x128xf32>
    %lt3A_1303 = arith.cmpf olt, %slice3A_1302, %min3A_1301 : vector<256x128xf32>
    %jit3A_1304 = arith.constant 4.000000e+00 : f32
    %broadcast_in_dim3A_1305 = vector.broadcast %jit3A_1304 : f32 to vector<256x128xf32>
    %select_n3A_1306 = arith.select %lt3A_1303, %broadcast_in_dim3A_1305, %select_n3A_1300 : vector<256x128xi1>, vector<256x128xf32>
    %min3A_1307 = arith.minimumf %slice3A_1302, %min3A_1301 : vector<256x128xf32>
    %slice3A_1308 = vector.extract_strided_slice %dot_general3A_1280 {offsets = [0, 640], sizes = [256, 128], strides = [1, 1]} : vector<256x8192xf32> to vector<256x128xf32>
    %lt3A_1309 = arith.cmpf olt, %slice3A_1308, %min3A_1307 : vector<256x128xf32>
    %jit3A_1310 = arith.constant 5.000000e+00 : f32
    %broadcast_in_dim3A_1311 = vector.broadcast %jit3A_1310 : f32 to vector<256x128xf32>
    %select_n3A_1312 = arith.select %lt3A_1309, %broadcast_in_dim3A_1311, %select_n3A_1306 : vector<256x128xi1>, vector<256x128xf32>
    %min3A_1313 = arith.minimumf %slice3A_1308, %min3A_1307 : vector<256x128xf32>
    %slice3A_1314 = vector.extract_strided_slice %dot_general3A_1280 {offsets = [0, 768], sizes = [256, 128], strides = [1, 1]} : vector<256x8192xf32> to vector<256x128xf32>
    %lt3A_1315 = arith.cmpf olt, %slice3A_1314, %min3A_1313 : vector<256x128xf32>
    %jit3A_1316 = arith.constant 6.000000e+00 : f32
    %broadcast_in_dim3A_1317 = vector.broadcast %jit3A_1316 : f32 to vector<256x128xf32>
    %select_n3A_1318 = arith.select %lt3A_1315, %broadcast_in_dim3A_1317, %select_n3A_1312 : vector<256x128xi1>, vector<256x128xf32>
    %min3A_1319 = arith.minimumf %slice3A_1314, %min3A_1313 : vector<256x128xf32>
    %slice3A_1320 = vector.extract_strided_slice %dot_general3A_1280 {offsets = [0, 896], sizes = [256, 128], strides = [1, 1]} : vector<256x8192xf32> to vector<256x128xf32>
    %lt3A_1321 = arith.cmpf olt, %slice3A_1320, %min3A_1319 : vector<256x128xf32>
    %jit3A_1322 = arith.constant 7.000000e+00 : f32
    %broadcast_in_dim3A_1323 = vector.broadcast %jit3A_1322 : f32 to vector<256x128xf32>
    %select_n3A_1324 = arith.select %lt3A_1321, %broadcast_in_dim3A_1323, %select_n3A_1318 : vector<256x128xi1>, vector<256x128xf32>
    %min3A_1325 = arith.minimumf %slice3A_1320, %min3A_1319 : vector<256x128xf32>
    %slice3A_1326 = vector.extract_strided_slice %dot_general3A_1280 {offsets = [0, 1024], sizes = [256, 128], strides = [1, 1]} : vector<256x8192xf32> to vector<256x128xf32>
    %lt3A_1327 = arith.cmpf olt, %slice3A_1326, %min3A_1325 : vector<256x128xf32>
    %jit3A_1328 = arith.constant 8.000000e+00 : f32
    %broadcast_in_dim3A_1329 = vector.broadcast %jit3A_1328 : f32 to vector<256x128xf32>
    %select_n3A_1330 = arith.select %lt3A_1327, %broadcast_in_dim3A_1329, %select_n3A_1324 : vector<256x128xi1>, vector<256x128xf32>
    %min3A_1331 = arith.minimumf %slice3A_1326, %min3A_1325 : vector<256x128xf32>
    %slice3A_1332 = vector.extract_strided_slice %dot_general3A_1280 {offsets = [0, 1152], sizes = [256, 128], strides = [1, 1]} : vector<256x8192xf32> to vector<256x128xf32>
    %lt3A_1333 = arith.cmpf olt, %slice3A_1332, %min3A_1331 : vector<256x128xf32>
    %jit3A_1334 = arith.constant 9.000000e+00 : f32
    %broadcast_in_dim3A_1335 = vector.broadcast %jit3A_1334 : f32 to vector<256x128xf32>
    %select_n3A_1336 = arith.select %lt3A_1333, %broadcast_in_dim3A_1335, %select_n3A_1330 : vector<256x128xi1>, vector<256x128xf32>
    %min3A_1337 = arith.minimumf %slice3A_1332, %min3A_1331 : vector<256x128xf32>
    %slice3A_1338 = vector.extract_strided_slice %dot_general3A_1280 {offsets = [0, 1280], sizes = [256, 128], strides = [1, 1]} : vector<256x8192xf32> to vector<256x128xf32>
    %lt3A_1339 = arith.cmpf olt, %slice3A_1338, %min3A_1337 : vector<256x128xf32>
    %jit3A_1340 = arith.constant 1.000000e+01 : f32
    %broadcast_in_dim3A_1341 = vector.broadcast %jit3A_1340 : f32 to vector<256x128xf32>
    %select_n3A_1342 = arith.select %lt3A_1339, %broadcast_in_dim3A_1341, %select_n3A_1336 : vector<256x128xi1>, vector<256x128xf32>
    %min3A_1343 = arith.minimumf %slice3A_1338, %min3A_1337 : vector<256x128xf32>
    %slice3A_1344 = vector.extract_strided_slice %dot_general3A_1280 {offsets = [0, 1408], sizes = [256, 128], strides = [1, 1]} : vector<256x8192xf32> to vector<256x128xf32>
    %lt3A_1345 = arith.cmpf olt, %slice3A_1344, %min3A_1343 : vector<256x128xf32>
    %jit3A_1346 = arith.constant 1.100000e+01 : f32
    %broadcast_in_dim3A_1347 = vector.broadcast %jit3A_1346 : f32 to vector<256x128xf32>
    %select_n3A_1348 = arith.select %lt3A_1345, %broadcast_in_dim3A_1347, %select_n3A_1342 : vector<256x128xi1>, vector<256x128xf32>
    %min3A_1349 = arith.minimumf %slice3A_1344, %min3A_1343 : vector<256x128xf32>
    %slice3A_1350 = vector.extract_strided_slice %dot_general3A_1280 {offsets = [0, 1536], sizes = [256, 128], strides = [1, 1]} : vector<256x8192xf32> to vector<256x128xf32>
    %lt3A_1351 = arith.cmpf olt, %slice3A_1350, %min3A_1349 : vector<256x128xf32>
    %jit3A_1352 = arith.constant 1.200000e+01 : f32
    %broadcast_in_dim3A_1353 = vector.broadcast %jit3A_1352 : f32 to vector<256x128xf32>
    %select_n3A_1354 = arith.select %lt3A_1351, %broadcast_in_dim3A_1353, %select_n3A_1348 : vector<256x128xi1>, vector<256x128xf32>
    %min3A_1355 = arith.minimumf %slice3A_1350, %min3A_1349 : vector<256x128xf32>
    %slice3A_1356 = vector.extract_strided_slice %dot_general3A_1280 {offsets = [0, 1664], sizes = [256, 128], strides = [1, 1]} : vector<256x8192xf32> to vector<256x128xf32>
    %lt3A_1357 = arith.cmpf olt, %slice3A_1356, %min3A_1355 : vector<256x128xf32>
    %jit3A_1358 = arith.constant 1.300000e+01 : f32
    %broadcast_in_dim3A_1359 = vector.broadcast %jit3A_1358 : f32 to vector<256x128xf32>
    %select_n3A_1360 = arith.select %lt3A_1357, %broadcast_in_dim3A_1359, %select_n3A_1354 : vector<256x128xi1>, vector<256x128xf32>
    %min3A_1361 = arith.minimumf %slice3A_1356, %min3A_1355 : vector<256x128xf32>
    %slice3A_1362 = vector.extract_strided_slice %dot_general3A_1280 {offsets = [0, 1792], sizes = [256, 128], strides = [1, 1]} : vector<256x8192xf32> to vector<256x128xf32>
    %lt3A_1363 = arith.cmpf olt, %slice3A_1362, %min3A_1361 : vector<256x128xf32>
    %jit3A_1364 = arith.constant 1.400000e+01 : f32
    %broadcast_in_dim3A_1365 = vector.broadcast %jit3A_1364 : f32 to vector<256x128xf32>
    %select_n3A_1366 = arith.select %lt3A_1363, %broadcast_in_dim3A_1365, %select_n3A_1360 : vector<256x128xi1>, vector<256x128xf32>
    %min3A_1367 = arith.minimumf %slice3A_1362, %min3A_1361 : vector<256x128xf32>
    %slice3A_1368 = vector.extract_strided_slice %dot_general3A_1280 {offsets = [0, 1920], sizes = [256, 128], strides = [1, 1]} : vector<256x8192xf32> to vector<256x128xf32>
    %lt3A_1369 = arith.cmpf olt, %slice3A_1368, %min3A_1367 : vector<256x128xf32>
    %jit3A_1370 = arith.constant 1.500000e+01 : f32
    %broadcast_in_dim3A_1371 = vector.broadcast %jit3A_1370 : f32 to vector<256x128xf32>
    %select_n3A_1372 = arith.select %lt3A_1369, %broadcast_in_dim3A_1371, %select_n3A_1366 : vector<256x128xi1>, vector<256x128xf32>
    %min3A_1373 = arith.minimumf %slice3A_1368, %min3A_1367 : vector<256x128xf32>
    %slice3A_1374 = vector.extract_strided_slice %dot_general3A_1280 {offsets = [0, 2048], sizes = [256, 128], strides = [1, 1]} : vector<256x8192xf32> to vector<256x128xf32>
    %lt3A_1375 = arith.cmpf olt, %slice3A_1374, %min3A_1373 : vector<256x128xf32>
    %jit3A_1376 = arith.constant 1.600000e+01 : f32
    %broadcast_in_dim3A_1377 = vector.broadcast %jit3A_1376 : f32 to vector<256x128xf32>
    %select_n3A_1378 = arith.select %lt3A_1375, %broadcast_in_dim3A_1377, %select_n3A_1372 : vector<256x128xi1>, vector<256x128xf32>
    %min3A_1379 = arith.minimumf %slice3A_1374, %min3A_1373 : vector<256x128xf32>
    %slice3A_1380 = vector.extract_strided_slice %dot_general3A_1280 {offsets = [0, 2176], sizes = [256, 128], strides = [1, 1]} : vector<256x8192xf32> to vector<256x128xf32>
    %lt3A_1381 = arith.cmpf olt, %slice3A_1380, %min3A_1379 : vector<256x128xf32>
    %jit3A_1382 = arith.constant 1.700000e+01 : f32
    %broadcast_in_dim3A_1383 = vector.broadcast %jit3A_1382 : f32 to vector<256x128xf32>
    %select_n3A_1384 = arith.select %lt3A_1381, %broadcast_in_dim3A_1383, %select_n3A_1378 : vector<256x128xi1>, vector<256x128xf32>
    %min3A_1385 = arith.minimumf %slice3A_1380, %min3A_1379 : vector<256x128xf32>
    %slice3A_1386 = vector.extract_strided_slice %dot_general3A_1280 {offsets = [0, 2304], sizes = [256, 128], strides = [1, 1]} : vector<256x8192xf32> to vector<256x128xf32>
    %lt3A_1387 = arith.cmpf olt, %slice3A_1386, %min3A_1385 : vector<256x128xf32>
    %jit3A_1388 = arith.constant 1.800000e+01 : f32
    %broadcast_in_dim3A_1389 = vector.broadcast %jit3A_1388 : f32 to vector<256x128xf32>
    %select_n3A_1390 = arith.select %lt3A_1387, %broadcast_in_dim3A_1389, %select_n3A_1384 : vector<256x128xi1>, vector<256x128xf32>
    %min3A_1391 = arith.minimumf %slice3A_1386, %min3A_1385 : vector<256x128xf32>
    %slice3A_1392 = vector.extract_strided_slice %dot_general3A_1280 {offsets = [0, 2432], sizes = [256, 128], strides = [1, 1]} : vector<256x8192xf32> to vector<256x128xf32>
    %lt3A_1393 = arith.cmpf olt, %slice3A_1392, %min3A_1391 : vector<256x128xf32>
    %jit3A_1394 = arith.constant 1.900000e+01 : f32
    %broadcast_in_dim3A_1395 = vector.broadcast %jit3A_1394 : f32 to vector<256x128xf32>
    %select_n3A_1396 = arith.select %lt3A_1393, %broadcast_in_dim3A_1395, %select_n3A_1390 : vector<256x128xi1>, vector<256x128xf32>
    %min3A_1397 = arith.minimumf %slice3A_1392, %min3A_1391 : vector<256x128xf32>
    %slice3A_1398 = vector.extract_strided_slice %dot_general3A_1280 {offsets = [0, 2560], sizes = [256, 128], strides = [1, 1]} : vector<256x8192xf32> to vector<256x128xf32>
    %lt3A_1399 = arith.cmpf olt, %slice3A_1398, %min3A_1397 : vector<256x128xf32>
    %jit3A_1400 = arith.constant 2.000000e+01 : f32
    %broadcast_in_dim3A_1401 = vector.broadcast %jit3A_1400 : f32 to vector<256x128xf32>
    %select_n3A_1402 = arith.select %lt3A_1399, %broadcast_in_dim3A_1401, %select_n3A_1396 : vector<256x128xi1>, vector<256x128xf32>
    %min3A_1403 = arith.minimumf %slice3A_1398, %min3A_1397 : vector<256x128xf32>
    %slice3A_1404 = vector.extract_strided_slice %dot_general3A_1280 {offsets = [0, 2688], sizes = [256, 128], strides = [1, 1]} : vector<256x8192xf32> to vector<256x128xf32>
    %lt3A_1405 = arith.cmpf olt, %slice3A_1404, %min3A_1403 : vector<256x128xf32>
    %jit3A_1406 = arith.constant 2.100000e+01 : f32
    %broadcast_in_dim3A_1407 = vector.broadcast %jit3A_1406 : f32 to vector<256x128xf32>
    %select_n3A_1408 = arith.select %lt3A_1405, %broadcast_in_dim3A_1407, %select_n3A_1402 : vector<256x128xi1>, vector<256x128xf32>
    %min3A_1409 = arith.minimumf %slice3A_1404, %min3A_1403 : vector<256x128xf32>
    %slice3A_1410 = vector.extract_strided_slice %dot_general3A_1280 {offsets = [0, 2816], sizes = [256, 128], strides = [1, 1]} : vector<256x8192xf32> to vector<256x128xf32>
    %lt3A_1411 = arith.cmpf olt, %slice3A_1410, %min3A_1409 : vector<256x128xf32>
    %jit3A_1412 = arith.constant 2.200000e+01 : f32
    %broadcast_in_dim3A_1413 = vector.broadcast %jit3A_1412 : f32 to vector<256x128xf32>
    %select_n3A_1414 = arith.select %lt3A_1411, %broadcast_in_dim3A_1413, %select_n3A_1408 : vector<256x128xi1>, vector<256x128xf32>
    %min3A_1415 = arith.minimumf %slice3A_1410, %min3A_1409 : vector<256x128xf32>
    %slice3A_1416 = vector.extract_strided_slice %dot_general3A_1280 {offsets = [0, 2944], sizes = [256, 128], strides = [1, 1]} : vector<256x8192xf32> to vector<256x128xf32>
    %lt3A_1417 = arith.cmpf olt, %slice3A_1416, %min3A_1415 : vector<256x128xf32>
    %jit3A_1418 = arith.constant 2.300000e+01 : f32
    %broadcast_in_dim3A_1419 = vector.broadcast %jit3A_1418 : f32 to vector<256x128xf32>
    %select_n3A_1420 = arith.select %lt3A_1417, %broadcast_in_dim3A_1419, %select_n3A_1414 : vector<256x128xi1>, vector<256x128xf32>
    %min3A_1421 = arith.minimumf %slice3A_1416, %min3A_1415 : vector<256x128xf32>
    %slice3A_1422 = vector.extract_strided_slice %dot_general3A_1280 {offsets = [0, 3072], sizes = [256, 128], strides = [1, 1]} : vector<256x8192xf32> to vector<256x128xf32>
    %lt3A_1423 = arith.cmpf olt, %slice3A_1422, %min3A_1421 : vector<256x128xf32>
    %jit3A_1424 = arith.constant 2.400000e+01 : f32
    %broadcast_in_dim3A_1425 = vector.broadcast %jit3A_1424 : f32 to vector<256x128xf32>
    %select_n3A_1426 = arith.select %lt3A_1423, %broadcast_in_dim3A_1425, %select_n3A_1420 : vector<256x128xi1>, vector<256x128xf32>
    %min3A_1427 = arith.minimumf %slice3A_1422, %min3A_1421 : vector<256x128xf32>
    %slice3A_1428 = vector.extract_strided_slice %dot_general3A_1280 {offsets = [0, 3200], sizes = [256, 128], strides = [1, 1]} : vector<256x8192xf32> to vector<256x128xf32>
    %lt3A_1429 = arith.cmpf olt, %slice3A_1428, %min3A_1427 : vector<256x128xf32>
    %jit3A_1430 = arith.constant 2.500000e+01 : f32
    %broadcast_in_dim3A_1431 = vector.broadcast %jit3A_1430 : f32 to vector<256x128xf32>
    %select_n3A_1432 = arith.select %lt3A_1429, %broadcast_in_dim3A_1431, %select_n3A_1426 : vector<256x128xi1>, vector<256x128xf32>
    %min3A_1433 = arith.minimumf %slice3A_1428, %min3A_1427 : vector<256x128xf32>
    %slice3A_1434 = vector.extract_strided_slice %dot_general3A_1280 {offsets = [0, 3328], sizes = [256, 128], strides = [1, 1]} : vector<256x8192xf32> to vector<256x128xf32>
    %lt3A_1435 = arith.cmpf olt, %slice3A_1434, %min3A_1433 : vector<256x128xf32>
    %jit3A_1436 = arith.constant 2.600000e+01 : f32
    %broadcast_in_dim3A_1437 = vector.broadcast %jit3A_1436 : f32 to vector<256x128xf32>
    %select_n3A_1438 = arith.select %lt3A_1435, %broadcast_in_dim3A_1437, %select_n3A_1432 : vector<256x128xi1>, vector<256x128xf32>
    %min3A_1439 = arith.minimumf %slice3A_1434, %min3A_1433 : vector<256x128xf32>
    %slice3A_1440 = vector.extract_strided_slice %dot_general3A_1280 {offsets = [0, 3456], sizes = [256, 128], strides = [1, 1]} : vector<256x8192xf32> to vector<256x128xf32>
    %lt3A_1441 = arith.cmpf olt, %slice3A_1440, %min3A_1439 : vector<256x128xf32>
    %jit3A_1442 = arith.constant 2.700000e+01 : f32
    %broadcast_in_dim3A_1443 = vector.broadcast %jit3A_1442 : f32 to vector<256x128xf32>
    %select_n3A_1444 = arith.select %lt3A_1441, %broadcast_in_dim3A_1443, %select_n3A_1438 : vector<256x128xi1>, vector<256x128xf32>
    %min3A_1445 = arith.minimumf %slice3A_1440, %min3A_1439 : vector<256x128xf32>
    %slice3A_1446 = vector.extract_strided_slice %dot_general3A_1280 {offsets = [0, 3584], sizes = [256, 128], strides = [1, 1]} : vector<256x8192xf32> to vector<256x128xf32>
    %lt3A_1447 = arith.cmpf olt, %slice3A_1446, %min3A_1445 : vector<256x128xf32>
    %jit3A_1448 = arith.constant 2.800000e+01 : f32
    %broadcast_in_dim3A_1449 = vector.broadcast %jit3A_1448 : f32 to vector<256x128xf32>
    %select_n3A_1450 = arith.select %lt3A_1447, %broadcast_in_dim3A_1449, %select_n3A_1444 : vector<256x128xi1>, vector<256x128xf32>
    %min3A_1451 = arith.minimumf %slice3A_1446, %min3A_1445 : vector<256x128xf32>
    %slice3A_1452 = vector.extract_strided_slice %dot_general3A_1280 {offsets = [0, 3712], sizes = [256, 128], strides = [1, 1]} : vector<256x8192xf32> to vector<256x128xf32>
    %lt3A_1453 = arith.cmpf olt, %slice3A_1452, %min3A_1451 : vector<256x128xf32>
    %jit3A_1454 = arith.constant 2.900000e+01 : f32
    %broadcast_in_dim3A_1455 = vector.broadcast %jit3A_1454 : f32 to vector<256x128xf32>
    %select_n3A_1456 = arith.select %lt3A_1453, %broadcast_in_dim3A_1455, %select_n3A_1450 : vector<256x128xi1>, vector<256x128xf32>
    %min3A_1457 = arith.minimumf %slice3A_1452, %min3A_1451 : vector<256x128xf32>
    %slice3A_1458 = vector.extract_strided_slice %dot_general3A_1280 {offsets = [0, 3840], sizes = [256, 128], strides = [1, 1]} : vector<256x8192xf32> to vector<256x128xf32>
    %lt3A_1459 = arith.cmpf olt, %slice3A_1458, %min3A_1457 : vector<256x128xf32>
    %jit3A_1460 = arith.constant 3.000000e+01 : f32
    %broadcast_in_dim3A_1461 = vector.broadcast %jit3A_1460 : f32 to vector<256x128xf32>
    %select_n3A_1462 = arith.select %lt3A_1459, %broadcast_in_dim3A_1461, %select_n3A_1456 : vector<256x128xi1>, vector<256x128xf32>
    %min3A_1463 = arith.minimumf %slice3A_1458, %min3A_1457 : vector<256x128xf32>
    %slice3A_1464 = vector.extract_strided_slice %dot_general3A_1280 {offsets = [0, 3968], sizes = [256, 128], strides = [1, 1]} : vector<256x8192xf32> to vector<256x128xf32>
    %lt3A_1465 = arith.cmpf olt, %slice3A_1464, %min3A_1463 : vector<256x128xf32>
    %jit3A_1466 = arith.constant 3.100000e+01 : f32
    %broadcast_in_dim3A_1467 = vector.broadcast %jit3A_1466 : f32 to vector<256x128xf32>
    %select_n3A_1468 = arith.select %lt3A_1465, %broadcast_in_dim3A_1467, %select_n3A_1462 : vector<256x128xi1>, vector<256x128xf32>
    %min3A_1469 = arith.minimumf %slice3A_1464, %min3A_1463 : vector<256x128xf32>
    %slice3A_1470 = vector.extract_strided_slice %dot_general3A_1280 {offsets = [0, 4096], sizes = [256, 128], strides = [1, 1]} : vector<256x8192xf32> to vector<256x128xf32>
    %lt3A_1471 = arith.cmpf olt, %slice3A_1470, %min3A_1469 : vector<256x128xf32>
    %jit3A_1472 = arith.constant 3.200000e+01 : f32
    %broadcast_in_dim3A_1473 = vector.broadcast %jit3A_1472 : f32 to vector<256x128xf32>
    %select_n3A_1474 = arith.select %lt3A_1471, %broadcast_in_dim3A_1473, %select_n3A_1468 : vector<256x128xi1>, vector<256x128xf32>
    %min3A_1475 = arith.minimumf %slice3A_1470, %min3A_1469 : vector<256x128xf32>
    %slice3A_1476 = vector.extract_strided_slice %dot_general3A_1280 {offsets = [0, 4224], sizes = [256, 128], strides = [1, 1]} : vector<256x8192xf32> to vector<256x128xf32>
    %lt3A_1477 = arith.cmpf olt, %slice3A_1476, %min3A_1475 : vector<256x128xf32>
    %jit3A_1478 = arith.constant 3.300000e+01 : f32
    %broadcast_in_dim3A_1479 = vector.broadcast %jit3A_1478 : f32 to vector<256x128xf32>
    %select_n3A_1480 = arith.select %lt3A_1477, %broadcast_in_dim3A_1479, %select_n3A_1474 : vector<256x128xi1>, vector<256x128xf32>
    %min3A_1481 = arith.minimumf %slice3A_1476, %min3A_1475 : vector<256x128xf32>
    %slice3A_1482 = vector.extract_strided_slice %dot_general3A_1280 {offsets = [0, 4352], sizes = [256, 128], strides = [1, 1]} : vector<256x8192xf32> to vector<256x128xf32>
    %lt3A_1483 = arith.cmpf olt, %slice3A_1482, %min3A_1481 : vector<256x128xf32>
    %jit3A_1484 = arith.constant 3.400000e+01 : f32
    %broadcast_in_dim3A_1485 = vector.broadcast %jit3A_1484 : f32 to vector<256x128xf32>
    %select_n3A_1486 = arith.select %lt3A_1483, %broadcast_in_dim3A_1485, %select_n3A_1480 : vector<256x128xi1>, vector<256x128xf32>
    %min3A_1487 = arith.minimumf %slice3A_1482, %min3A_1481 : vector<256x128xf32>
    %slice3A_1488 = vector.extract_strided_slice %dot_general3A_1280 {offsets = [0, 4480], sizes = [256, 128], strides = [1, 1]} : vector<256x8192xf32> to vector<256x128xf32>
    %lt3A_1489 = arith.cmpf olt, %slice3A_1488, %min3A_1487 : vector<256x128xf32>
    %jit3A_1490 = arith.constant 3.500000e+01 : f32
    %broadcast_in_dim3A_1491 = vector.broadcast %jit3A_1490 : f32 to vector<256x128xf32>
    %select_n3A_1492 = arith.select %lt3A_1489, %broadcast_in_dim3A_1491, %select_n3A_1486 : vector<256x128xi1>, vector<256x128xf32>
    %min3A_1493 = arith.minimumf %slice3A_1488, %min3A_1487 : vector<256x128xf32>
    %slice3A_1494 = vector.extract_strided_slice %dot_general3A_1280 {offsets = [0, 4608], sizes = [256, 128], strides = [1, 1]} : vector<256x8192xf32> to vector<256x128xf32>
    %lt3A_1495 = arith.cmpf olt, %slice3A_1494, %min3A_1493 : vector<256x128xf32>
    %jit3A_1496 = arith.constant 3.600000e+01 : f32
    %broadcast_in_dim3A_1497 = vector.broadcast %jit3A_1496 : f32 to vector<256x128xf32>
    %select_n3A_1498 = arith.select %lt3A_1495, %broadcast_in_dim3A_1497, %select_n3A_1492 : vector<256x128xi1>, vector<256x128xf32>
    %min3A_1499 = arith.minimumf %slice3A_1494, %min3A_1493 : vector<256x128xf32>
    %slice3A_1500 = vector.extract_strided_slice %dot_general3A_1280 {offsets = [0, 4736], sizes = [256, 128], strides = [1, 1]} : vector<256x8192xf32> to vector<256x128xf32>
    %lt3A_1501 = arith.cmpf olt, %slice3A_1500, %min3A_1499 : vector<256x128xf32>
    %jit3A_1502 = arith.constant 3.700000e+01 : f32
    %broadcast_in_dim3A_1503 = vector.broadcast %jit3A_1502 : f32 to vector<256x128xf32>
    %select_n3A_1504 = arith.select %lt3A_1501, %broadcast_in_dim3A_1503, %select_n3A_1498 : vector<256x128xi1>, vector<256x128xf32>
    %min3A_1505 = arith.minimumf %slice3A_1500, %min3A_1499 : vector<256x128xf32>
    %slice3A_1506 = vector.extract_strided_slice %dot_general3A_1280 {offsets = [0, 4864], sizes = [256, 128], strides = [1, 1]} : vector<256x8192xf32> to vector<256x128xf32>
    %lt3A_1507 = arith.cmpf olt, %slice3A_1506, %min3A_1505 : vector<256x128xf32>
    %jit3A_1508 = arith.constant 3.800000e+01 : f32
    %broadcast_in_dim3A_1509 = vector.broadcast %jit3A_1508 : f32 to vector<256x128xf32>
    %select_n3A_1510 = arith.select %lt3A_1507, %broadcast_in_dim3A_1509, %select_n3A_1504 : vector<256x128xi1>, vector<256x128xf32>
    %min3A_1511 = arith.minimumf %slice3A_1506, %min3A_1505 : vector<256x128xf32>
    %slice3A_1512 = vector.extract_strided_slice %dot_general3A_1280 {offsets = [0, 4992], sizes = [256, 128], strides = [1, 1]} : vector<256x8192xf32> to vector<256x128xf32>
    %lt3A_1513 = arith.cmpf olt, %slice3A_1512, %min3A_1511 : vector<256x128xf32>
    %jit3A_1514 = arith.constant 3.900000e+01 : f32
    %broadcast_in_dim3A_1515 = vector.broadcast %jit3A_1514 : f32 to vector<256x128xf32>
    %select_n3A_1516 = arith.select %lt3A_1513, %broadcast_in_dim3A_1515, %select_n3A_1510 : vector<256x128xi1>, vector<256x128xf32>
    %min3A_1517 = arith.minimumf %slice3A_1512, %min3A_1511 : vector<256x128xf32>
    %slice3A_1518 = vector.extract_strided_slice %dot_general3A_1280 {offsets = [0, 5120], sizes = [256, 128], strides = [1, 1]} : vector<256x8192xf32> to vector<256x128xf32>
    %lt3A_1519 = arith.cmpf olt, %slice3A_1518, %min3A_1517 : vector<256x128xf32>
    %jit3A_1520 = arith.constant 4.000000e+01 : f32
    %broadcast_in_dim3A_1521 = vector.broadcast %jit3A_1520 : f32 to vector<256x128xf32>
    %select_n3A_1522 = arith.select %lt3A_1519, %broadcast_in_dim3A_1521, %select_n3A_1516 : vector<256x128xi1>, vector<256x128xf32>
    %min3A_1523 = arith.minimumf %slice3A_1518, %min3A_1517 : vector<256x128xf32>
    %slice3A_1524 = vector.extract_strided_slice %dot_general3A_1280 {offsets = [0, 5248], sizes = [256, 128], strides = [1, 1]} : vector<256x8192xf32> to vector<256x128xf32>
    %lt3A_1525 = arith.cmpf olt, %slice3A_1524, %min3A_1523 : vector<256x128xf32>
    %jit3A_1526 = arith.constant 4.100000e+01 : f32
    %broadcast_in_dim3A_1527 = vector.broadcast %jit3A_1526 : f32 to vector<256x128xf32>
    %select_n3A_1528 = arith.select %lt3A_1525, %broadcast_in_dim3A_1527, %select_n3A_1522 : vector<256x128xi1>, vector<256x128xf32>
    %min3A_1529 = arith.minimumf %slice3A_1524, %min3A_1523 : vector<256x128xf32>
    %slice3A_1530 = vector.extract_strided_slice %dot_general3A_1280 {offsets = [0, 5376], sizes = [256, 128], strides = [1, 1]} : vector<256x8192xf32> to vector<256x128xf32>
    %lt3A_1531 = arith.cmpf olt, %slice3A_1530, %min3A_1529 : vector<256x128xf32>
    %jit3A_1532 = arith.constant 4.200000e+01 : f32
    %broadcast_in_dim3A_1533 = vector.broadcast %jit3A_1532 : f32 to vector<256x128xf32>
    %select_n3A_1534 = arith.select %lt3A_1531, %broadcast_in_dim3A_1533, %select_n3A_1528 : vector<256x128xi1>, vector<256x128xf32>
    %min3A_1535 = arith.minimumf %slice3A_1530, %min3A_1529 : vector<256x128xf32>
    %slice3A_1536 = vector.extract_strided_slice %dot_general3A_1280 {offsets = [0, 5504], sizes = [256, 128], strides = [1, 1]} : vector<256x8192xf32> to vector<256x128xf32>
    %lt3A_1537 = arith.cmpf olt, %slice3A_1536, %min3A_1535 : vector<256x128xf32>
    %jit3A_1538 = arith.constant 4.300000e+01 : f32
    %broadcast_in_dim3A_1539 = vector.broadcast %jit3A_1538 : f32 to vector<256x128xf32>
    %select_n3A_1540 = arith.select %lt3A_1537, %broadcast_in_dim3A_1539, %select_n3A_1534 : vector<256x128xi1>, vector<256x128xf32>
    %min3A_1541 = arith.minimumf %slice3A_1536, %min3A_1535 : vector<256x128xf32>
    %slice3A_1542 = vector.extract_strided_slice %dot_general3A_1280 {offsets = [0, 5632], sizes = [256, 128], strides = [1, 1]} : vector<256x8192xf32> to vector<256x128xf32>
    %lt3A_1543 = arith.cmpf olt, %slice3A_1542, %min3A_1541 : vector<256x128xf32>
    %jit3A_1544 = arith.constant 4.400000e+01 : f32
    %broadcast_in_dim3A_1545 = vector.broadcast %jit3A_1544 : f32 to vector<256x128xf32>
    %select_n3A_1546 = arith.select %lt3A_1543, %broadcast_in_dim3A_1545, %select_n3A_1540 : vector<256x128xi1>, vector<256x128xf32>
    %min3A_1547 = arith.minimumf %slice3A_1542, %min3A_1541 : vector<256x128xf32>
    %slice3A_1548 = vector.extract_strided_slice %dot_general3A_1280 {offsets = [0, 5760], sizes = [256, 128], strides = [1, 1]} : vector<256x8192xf32> to vector<256x128xf32>
    %lt3A_1549 = arith.cmpf olt, %slice3A_1548, %min3A_1547 : vector<256x128xf32>
    %jit3A_1550 = arith.constant 4.500000e+01 : f32
    %broadcast_in_dim3A_1551 = vector.broadcast %jit3A_1550 : f32 to vector<256x128xf32>
    %select_n3A_1552 = arith.select %lt3A_1549, %broadcast_in_dim3A_1551, %select_n3A_1546 : vector<256x128xi1>, vector<256x128xf32>
    %min3A_1553 = arith.minimumf %slice3A_1548, %min3A_1547 : vector<256x128xf32>
    %slice3A_1554 = vector.extract_strided_slice %dot_general3A_1280 {offsets = [0, 5888], sizes = [256, 128], strides = [1, 1]} : vector<256x8192xf32> to vector<256x128xf32>
    %lt3A_1555 = arith.cmpf olt, %slice3A_1554, %min3A_1553 : vector<256x128xf32>
    %jit3A_1556 = arith.constant 4.600000e+01 : f32
    %broadcast_in_dim3A_1557 = vector.broadcast %jit3A_1556 : f32 to vector<256x128xf32>
    %select_n3A_1558 = arith.select %lt3A_1555, %broadcast_in_dim3A_1557, %select_n3A_1552 : vector<256x128xi1>, vector<256x128xf32>
    %min3A_1559 = arith.minimumf %slice3A_1554, %min3A_1553 : vector<256x128xf32>
    %slice3A_1560 = vector.extract_strided_slice %dot_general3A_1280 {offsets = [0, 6016], sizes = [256, 128], strides = [1, 1]} : vector<256x8192xf32> to vector<256x128xf32>
    %lt3A_1561 = arith.cmpf olt, %slice3A_1560, %min3A_1559 : vector<256x128xf32>
    %jit3A_1562 = arith.constant 4.700000e+01 : f32
    %broadcast_in_dim3A_1563 = vector.broadcast %jit3A_1562 : f32 to vector<256x128xf32>
    %select_n3A_1564 = arith.select %lt3A_1561, %broadcast_in_dim3A_1563, %select_n3A_1558 : vector<256x128xi1>, vector<256x128xf32>
    %min3A_1565 = arith.minimumf %slice3A_1560, %min3A_1559 : vector<256x128xf32>
    %slice3A_1566 = vector.extract_strided_slice %dot_general3A_1280 {offsets = [0, 6144], sizes = [256, 128], strides = [1, 1]} : vector<256x8192xf32> to vector<256x128xf32>
    %lt3A_1567 = arith.cmpf olt, %slice3A_1566, %min3A_1565 : vector<256x128xf32>
    %jit3A_1568 = arith.constant 4.800000e+01 : f32
    %broadcast_in_dim3A_1569 = vector.broadcast %jit3A_1568 : f32 to vector<256x128xf32>
    %select_n3A_1570 = arith.select %lt3A_1567, %broadcast_in_dim3A_1569, %select_n3A_1564 : vector<256x128xi1>, vector<256x128xf32>
    %min3A_1571 = arith.minimumf %slice3A_1566, %min3A_1565 : vector<256x128xf32>
    %slice3A_1572 = vector.extract_strided_slice %dot_general3A_1280 {offsets = [0, 6272], sizes = [256, 128], strides = [1, 1]} : vector<256x8192xf32> to vector<256x128xf32>
    %lt3A_1573 = arith.cmpf olt, %slice3A_1572, %min3A_1571 : vector<256x128xf32>
    %jit3A_1574 = arith.constant 4.900000e+01 : f32
    %broadcast_in_dim3A_1575 = vector.broadcast %jit3A_1574 : f32 to vector<256x128xf32>
    %select_n3A_1576 = arith.select %lt3A_1573, %broadcast_in_dim3A_1575, %select_n3A_1570 : vector<256x128xi1>, vector<256x128xf32>
    %min3A_1577 = arith.minimumf %slice3A_1572, %min3A_1571 : vector<256x128xf32>
    %slice3A_1578 = vector.extract_strided_slice %dot_general3A_1280 {offsets = [0, 6400], sizes = [256, 128], strides = [1, 1]} : vector<256x8192xf32> to vector<256x128xf32>
    %lt3A_1579 = arith.cmpf olt, %slice3A_1578, %min3A_1577 : vector<256x128xf32>
    %jit3A_1580 = arith.constant 5.000000e+01 : f32
    %broadcast_in_dim3A_1581 = vector.broadcast %jit3A_1580 : f32 to vector<256x128xf32>
    %select_n3A_1582 = arith.select %lt3A_1579, %broadcast_in_dim3A_1581, %select_n3A_1576 : vector<256x128xi1>, vector<256x128xf32>
    %min3A_1583 = arith.minimumf %slice3A_1578, %min3A_1577 : vector<256x128xf32>
    %slice3A_1584 = vector.extract_strided_slice %dot_general3A_1280 {offsets = [0, 6528], sizes = [256, 128], strides = [1, 1]} : vector<256x8192xf32> to vector<256x128xf32>
    %lt3A_1585 = arith.cmpf olt, %slice3A_1584, %min3A_1583 : vector<256x128xf32>
    %jit3A_1586 = arith.constant 5.100000e+01 : f32
    %broadcast_in_dim3A_1587 = vector.broadcast %jit3A_1586 : f32 to vector<256x128xf32>
    %select_n3A_1588 = arith.select %lt3A_1585, %broadcast_in_dim3A_1587, %select_n3A_1582 : vector<256x128xi1>, vector<256x128xf32>
    %min3A_1589 = arith.minimumf %slice3A_1584, %min3A_1583 : vector<256x128xf32>
    %slice3A_1590 = vector.extract_strided_slice %dot_general3A_1280 {offsets = [0, 6656], sizes = [256, 128], strides = [1, 1]} : vector<256x8192xf32> to vector<256x128xf32>
    %lt3A_1591 = arith.cmpf olt, %slice3A_1590, %min3A_1589 : vector<256x128xf32>
    %jit3A_1592 = arith.constant 5.200000e+01 : f32
    %broadcast_in_dim3A_1593 = vector.broadcast %jit3A_1592 : f32 to vector<256x128xf32>
    %select_n3A_1594 = arith.select %lt3A_1591, %broadcast_in_dim3A_1593, %select_n3A_1588 : vector<256x128xi1>, vector<256x128xf32>
    %min3A_1595 = arith.minimumf %slice3A_1590, %min3A_1589 : vector<256x128xf32>
    %slice3A_1596 = vector.extract_strided_slice %dot_general3A_1280 {offsets = [0, 6784], sizes = [256, 128], strides = [1, 1]} : vector<256x8192xf32> to vector<256x128xf32>
    %lt3A_1597 = arith.cmpf olt, %slice3A_1596, %min3A_1595 : vector<256x128xf32>
    %jit3A_1598 = arith.constant 5.300000e+01 : f32
    %broadcast_in_dim3A_1599 = vector.broadcast %jit3A_1598 : f32 to vector<256x128xf32>
    %select_n3A_1600 = arith.select %lt3A_1597, %broadcast_in_dim3A_1599, %select_n3A_1594 : vector<256x128xi1>, vector<256x128xf32>
    %min3A_1601 = arith.minimumf %slice3A_1596, %min3A_1595 : vector<256x128xf32>
    %slice3A_1602 = vector.extract_strided_slice %dot_general3A_1280 {offsets = [0, 6912], sizes = [256, 128], strides = [1, 1]} : vector<256x8192xf32> to vector<256x128xf32>
    %lt3A_1603 = arith.cmpf olt, %slice3A_1602, %min3A_1601 : vector<256x128xf32>
    %jit3A_1604 = arith.constant 5.400000e+01 : f32
    %broadcast_in_dim3A_1605 = vector.broadcast %jit3A_1604 : f32 to vector<256x128xf32>
    %select_n3A_1606 = arith.select %lt3A_1603, %broadcast_in_dim3A_1605, %select_n3A_1600 : vector<256x128xi1>, vector<256x128xf32>
    %min3A_1607 = arith.minimumf %slice3A_1602, %min3A_1601 : vector<256x128xf32>
    %slice3A_1608 = vector.extract_strided_slice %dot_general3A_1280 {offsets = [0, 7040], sizes = [256, 128], strides = [1, 1]} : vector<256x8192xf32> to vector<256x128xf32>
    %lt3A_1609 = arith.cmpf olt, %slice3A_1608, %min3A_1607 : vector<256x128xf32>
    %jit3A_1610 = arith.constant 5.500000e+01 : f32
    %broadcast_in_dim3A_1611 = vector.broadcast %jit3A_1610 : f32 to vector<256x128xf32>
    %select_n3A_1612 = arith.select %lt3A_1609, %broadcast_in_dim3A_1611, %select_n3A_1606 : vector<256x128xi1>, vector<256x128xf32>
    %min3A_1613 = arith.minimumf %slice3A_1608, %min3A_1607 : vector<256x128xf32>
    %slice3A_1614 = vector.extract_strided_slice %dot_general3A_1280 {offsets = [0, 7168], sizes = [256, 128], strides = [1, 1]} : vector<256x8192xf32> to vector<256x128xf32>
    %lt3A_1615 = arith.cmpf olt, %slice3A_1614, %min3A_1613 : vector<256x128xf32>
    %jit3A_1616 = arith.constant 5.600000e+01 : f32
    %broadcast_in_dim3A_1617 = vector.broadcast %jit3A_1616 : f32 to vector<256x128xf32>
    %select_n3A_1618 = arith.select %lt3A_1615, %broadcast_in_dim3A_1617, %select_n3A_1612 : vector<256x128xi1>, vector<256x128xf32>
    %min3A_1619 = arith.minimumf %slice3A_1614, %min3A_1613 : vector<256x128xf32>
    %slice3A_1620 = vector.extract_strided_slice %dot_general3A_1280 {offsets = [0, 7296], sizes = [256, 128], strides = [1, 1]} : vector<256x8192xf32> to vector<256x128xf32>
    %lt3A_1621 = arith.cmpf olt, %slice3A_1620, %min3A_1619 : vector<256x128xf32>
    %jit3A_1622 = arith.constant 5.700000e+01 : f32
    %broadcast_in_dim3A_1623 = vector.broadcast %jit3A_1622 : f32 to vector<256x128xf32>
    %select_n3A_1624 = arith.select %lt3A_1621, %broadcast_in_dim3A_1623, %select_n3A_1618 : vector<256x128xi1>, vector<256x128xf32>
    %min3A_1625 = arith.minimumf %slice3A_1620, %min3A_1619 : vector<256x128xf32>
    %slice3A_1626 = vector.extract_strided_slice %dot_general3A_1280 {offsets = [0, 7424], sizes = [256, 128], strides = [1, 1]} : vector<256x8192xf32> to vector<256x128xf32>
    %lt3A_1627 = arith.cmpf olt, %slice3A_1626, %min3A_1625 : vector<256x128xf32>
    %jit3A_1628 = arith.constant 5.800000e+01 : f32
    %broadcast_in_dim3A_1629 = vector.broadcast %jit3A_1628 : f32 to vector<256x128xf32>
    %select_n3A_1630 = arith.select %lt3A_1627, %broadcast_in_dim3A_1629, %select_n3A_1624 : vector<256x128xi1>, vector<256x128xf32>
    %min3A_1631 = arith.minimumf %slice3A_1626, %min3A_1625 : vector<256x128xf32>
    %slice3A_1632 = vector.extract_strided_slice %dot_general3A_1280 {offsets = [0, 7552], sizes = [256, 128], strides = [1, 1]} : vector<256x8192xf32> to vector<256x128xf32>
    %lt3A_1633 = arith.cmpf olt, %slice3A_1632, %min3A_1631 : vector<256x128xf32>
    %jit3A_1634 = arith.constant 5.900000e+01 : f32
    %broadcast_in_dim3A_1635 = vector.broadcast %jit3A_1634 : f32 to vector<256x128xf32>
    %select_n3A_1636 = arith.select %lt3A_1633, %broadcast_in_dim3A_1635, %select_n3A_1630 : vector<256x128xi1>, vector<256x128xf32>
    %min3A_1637 = arith.minimumf %slice3A_1632, %min3A_1631 : vector<256x128xf32>
    %slice3A_1638 = vector.extract_strided_slice %dot_general3A_1280 {offsets = [0, 7680], sizes = [256, 128], strides = [1, 1]} : vector<256x8192xf32> to vector<256x128xf32>
    %lt3A_1639 = arith.cmpf olt, %slice3A_1638, %min3A_1637 : vector<256x128xf32>
    %jit3A_1640 = arith.constant 6.000000e+01 : f32
    %broadcast_in_dim3A_1641 = vector.broadcast %jit3A_1640 : f32 to vector<256x128xf32>
    %select_n3A_1642 = arith.select %lt3A_1639, %broadcast_in_dim3A_1641, %select_n3A_1636 : vector<256x128xi1>, vector<256x128xf32>
    %min3A_1643 = arith.minimumf %slice3A_1638, %min3A_1637 : vector<256x128xf32>
    %slice3A_1644 = vector.extract_strided_slice %dot_general3A_1280 {offsets = [0, 7808], sizes = [256, 128], strides = [1, 1]} : vector<256x8192xf32> to vector<256x128xf32>
    %lt3A_1645 = arith.cmpf olt, %slice3A_1644, %min3A_1643 : vector<256x128xf32>
    %jit3A_1646 = arith.constant 6.100000e+01 : f32
    %broadcast_in_dim3A_1647 = vector.broadcast %jit3A_1646 : f32 to vector<256x128xf32>
    %select_n3A_1648 = arith.select %lt3A_1645, %broadcast_in_dim3A_1647, %select_n3A_1642 : vector<256x128xi1>, vector<256x128xf32>
    %min3A_1649 = arith.minimumf %slice3A_1644, %min3A_1643 : vector<256x128xf32>
    %slice3A_1650 = vector.extract_strided_slice %dot_general3A_1280 {offsets = [0, 7936], sizes = [256, 128], strides = [1, 1]} : vector<256x8192xf32> to vector<256x128xf32>
    %lt3A_1651 = arith.cmpf olt, %slice3A_1650, %min3A_1649 : vector<256x128xf32>
    %jit3A_1652 = arith.constant 6.200000e+01 : f32
    %broadcast_in_dim3A_1653 = vector.broadcast %jit3A_1652 : f32 to vector<256x128xf32>
    %select_n3A_1654 = arith.select %lt3A_1651, %broadcast_in_dim3A_1653, %select_n3A_1648 : vector<256x128xi1>, vector<256x128xf32>
    %min3A_1655 = arith.minimumf %slice3A_1650, %min3A_1649 : vector<256x128xf32>
    %slice3A_1656 = vector.extract_strided_slice %dot_general3A_1280 {offsets = [0, 8064], sizes = [256, 128], strides = [1, 1]} : vector<256x8192xf32> to vector<256x128xf32>
    %lt3A_1657 = arith.cmpf olt, %slice3A_1656, %min3A_1655 : vector<256x128xf32>
    %jit3A_1658 = arith.constant 6.300000e+01 : f32
    %broadcast_in_dim3A_1659 = vector.broadcast %jit3A_1658 : f32 to vector<256x128xf32>
    %select_n3A_1660 = arith.select %lt3A_1657, %broadcast_in_dim3A_1659, %select_n3A_1654 : vector<256x128xi1>, vector<256x128xf32>
    %min3A_1661 = arith.minimumf %slice3A_1656, %min3A_1655 : vector<256x128xf32>
    %mul3A_1662 = arith.constant 1.280000e+02 : f32
    %mul3A_1663 = vector.broadcast %mul3A_1662 : f32 to vector<256x128xf32>
    %mul3A_1664 = arith.mulf %select_n3A_1660, %mul3A_1663 : vector<256x128xf32>
    %add3A_1665 = arith.addf %mul3A_1664, %convert_element_type3A_17 : vector<256x128xf32>
    %reduce_min3A_1666 = arith.constant dense<0x7F800000> : vector<256xf32>
    %reduce_min3A_1667 = vector.multi_reduction <minimumf>, %min3A_1661, %reduce_min3A_1666 [1] : vector<256x128xf32> to vector<256xf32>
    %broadcast_in_dim3A_1668 = vector.shape_cast %reduce_min3A_1667 : vector<256xf32> to vector<256x1xf32>
    %eq3A_1669 = vector.broadcast %broadcast_in_dim3A_1668 : vector<256x1xf32> to vector<256x128xf32>
    %eq3A_1670 = arith.cmpf oeq, %min3A_1661, %eq3A_1669 : vector<256x128xf32>
    %jit3A_1671 = arith.constant 6.553600e+04 : f32
    %broadcast_in_dim3A_1672 = vector.broadcast %jit3A_1671 : f32 to vector<256x128xf32>
    %select_n3A_1673 = arith.select %eq3A_1670, %add3A_1665, %broadcast_in_dim3A_1672 : vector<256x128xi1>, vector<256x128xf32>
    %reduce_min3A_1674 = arith.constant dense<0x7F800000> : vector<256xf32>
    %reduce_min3A_1675 = vector.multi_reduction <minimumf>, %select_n3A_1673, %reduce_min3A_1674 [1] : vector<256x128xf32> to vector<256xf32>
    %broadcast_in_dim3A_1676 = vector.shape_cast %reduce_min3A_1675 : vector<256xf32> to vector<256x1xf32>
    %eq3A_1677 = vector.broadcast %broadcast_in_dim3A_1676 : vector<256x1xf32> to vector<256x128xf32>
    %eq3A_1678 = arith.cmpf oeq, %add3A_1665, %eq3A_1677 : vector<256x128xf32>
    %jit3A_1679 = arith.constant 0x7F800000 : f32
    %broadcast_in_dim3A_1680 = vector.broadcast %jit3A_1679 : f32 to vector<256x128xf32>
    %select_n3A_1681 = arith.select %eq3A_1678, %broadcast_in_dim3A_1680, %min3A_1661 : vector<256x128xi1>, vector<256x128xf32>
    %reduce_min3A_1682 = arith.constant dense<0x7F800000> : vector<256xf32>
    %reduce_min3A_1683 = vector.multi_reduction <minimumf>, %select_n3A_1681, %reduce_min3A_1682 [1] : vector<256x128xf32> to vector<256xf32>
    %broadcast_in_dim3A_1684 = vector.shape_cast %reduce_min3A_1683 : vector<256xf32> to vector<256x1xf32>
    %eq3A_1685 = vector.broadcast %broadcast_in_dim3A_1684 : vector<256x1xf32> to vector<256x128xf32>
    %eq3A_1686 = arith.cmpf oeq, %select_n3A_1681, %eq3A_1685 : vector<256x128xf32>
    %jit3A_1687 = arith.constant 6.553600e+04 : f32
    %broadcast_in_dim3A_1688 = vector.broadcast %jit3A_1687 : f32 to vector<256x128xf32>
    %select_n3A_1689 = arith.select %eq3A_1686, %add3A_1665, %broadcast_in_dim3A_1688 : vector<256x128xi1>, vector<256x128xf32>
    %reduce_min3A_1690 = arith.constant dense<0x7F800000> : vector<256xf32>
    %reduce_min3A_1691 = vector.multi_reduction <minimumf>, %select_n3A_1689, %reduce_min3A_1690 [1] : vector<256x128xf32> to vector<256xf32>
    %broadcast_in_dim3A_1692 = vector.shape_cast %reduce_min3A_1691 : vector<256xf32> to vector<256x1xf32>
    %convert_element_type3A_1693 = arith.fptosi %broadcast_in_dim3A_1676 : vector<256x1xf32> to vector<256x1xi32>
    %swap3A_1694 = arith.constant 768 : index
    %swap3A_1695 = arith.constant 0 : index
    %swap3A_1696 = vector.load %arg3[%swap3A_1694, %swap3A_1695] : memref<1024x1xi32, #tpu.memory_space<vmem>>, vector<256x1xi32>
    tpu.vector_store %arg3[%swap3A_1694, %swap3A_1695], %convert_element_type3A_1693 {strides = array<i32>} : memref<1024x1xi32, #tpu.memory_space<vmem>>, vector<256x1xi32>,
    %convert_element_type3A_1697 = arith.fptosi %broadcast_in_dim3A_1692 : vector<256x1xf32> to vector<256x1xi32>
    %swap3A_1698 = arith.constant 768 : index
    %swap3A_1699 = arith.constant 0 : index
    %swap3A_1700 = vector.load %arg4[%swap3A_1698, %swap3A_1699] : memref<1024x1xi32, #tpu.memory_space<vmem>>, vector<256x1xi32>
    tpu.vector_store %arg4[%swap3A_1698, %swap3A_1699], %convert_element_type3A_1697 {strides = array<i32>} : memref<1024x1xi32, #tpu.memory_space<vmem>>, vector<256x1xi32>,
    return
  }
  func.func @transform_0(%arg0: i32) -> (i32, i32) {
    %c0_i32 = arith.constant 0 : i32
    %c0_i32_0 = arith.constant 0 : i32
    return %arg0, %c0_i32 : i32, i32
  }
  func.func @transform_1(%arg0: i32) -> (i32, i32) {
    %c0_i32 = arith.constant 0 : i32
    %c0_i32_0 = arith.constant 0 : i32
    %c0_i32_1 = arith.constant 0 : i32
    return %c0_i32, %c0_i32_0 : i32, i32
  }
  func.func @transform_2(%arg0: i32) -> (i32, i32) {
    %c0_i32 = arith.constant 0 : i32
    %c0_i32_0 = arith.constant 0 : i32
    return %arg0, %c0_i32 : i32, i32
  }
  func.func @transform_3(%arg0: i32) -> (i32, i32) {
    %c0_i32 = arith.constant 0 : i32
    %c0_i32_0 = arith.constant 0 : i32
    return %arg0, %c0_i32 : i32, i32
  }
}

module attributes {stable_mosaic.version = 14 : i64} {
  func.func @_select_block(%arg0: i32, %arg1: memref<2048x32xf32, #tpu.memory_space<vmem>>, %arg2: memref<2048x32xf32, #tpu.memory_space<vmem>>, %arg3: memref<2048x32xf32, #tpu.memory_space<vmem>>, %arg4: memref<2048x1xi32, #tpu.memory_space<vmem>>, %arg5: memref<2048x1xi32, #tpu.memory_space<vmem>>, %arg6: memref<2048x1xi32, #tpu.memory_space<vmem>>, %arg7: memref<2048x32xf32, #tpu.memory_space<vmem>>) attributes {dimension_semantics = [#tpu.dimension_semantics<arbitrary>], iteration_bounds = array<i64: 8>, scalar_prefetch = 0 : i64, scratch_operands = 0 : i64, tpu.core_type = #tpu.core_type<tc>, window_params = [{transform_indices = @transform_0, window_bounds = array<i64: 2048, 32>}, {transform_indices = @transform_1, window_bounds = array<i64: 2048, 32>}, {transform_indices = @transform_2, window_bounds = array<i64: 2048, 32>}, {transform_indices = @transform_3, window_bounds = array<i64: 2048, 1>}, {transform_indices = @transform_4, window_bounds = array<i64: 2048, 1>}, {transform_indices = @transform_5, window_bounds = array<i64: 2048, 1>}, {transform_indices = @transform_6, window_bounds = array<i64: 2048, 32>}]} {
    %get3A = arith.constant 0 : index
    %get3A_0 = arith.constant 0 : index
    %get3A_1 = vector.load %arg1[%get3A, %get3A_0] : memref<2048x32xf32, #tpu.memory_space<vmem>>, vector<2048x32xf32>
    %get3A_2 = arith.constant 0 : index
    %get3A_3 = arith.constant 0 : index
    %get3A_4 = vector.load %arg2[%get3A_2, %get3A_3] : memref<2048x32xf32, #tpu.memory_space<vmem>>, vector<2048x32xf32>
    %get3A_5 = arith.constant 0 : index
    %get3A_6 = arith.constant 0 : index
    %get3A_7 = vector.load %arg3[%get3A_5, %get3A_6] : memref<2048x32xf32, #tpu.memory_space<vmem>>, vector<2048x32xf32>
    %get3A_8 = arith.constant 0 : index
    %get3A_9 = arith.constant 0 : index
    %get3A_10 = vector.load %arg4[%get3A_8, %get3A_9] : memref<2048x1xi32, #tpu.memory_space<vmem>>, vector<2048x1xi32>
    %get3A_11 = arith.constant 0 : index
    %get3A_12 = arith.constant 0 : index
    %get3A_13 = vector.load %arg5[%get3A_11, %get3A_12] : memref<2048x1xi32, #tpu.memory_space<vmem>>, vector<2048x1xi32>
    %sub3A = arith.subf %get3A_1, %get3A_4 : vector<2048x32xf32>
    %sub3A_14 = arith.subf %get3A_1, %get3A_7 : vector<2048x32xf32>
    %mul3A = arith.mulf %sub3A, %sub3A : vector<2048x32xf32>
    %slice3A = vector.extract_strided_slice %mul3A {offsets = [0, 0], sizes = [2048, 16], strides = [1, 1]} : vector<2048x32xf32> to vector<2048x16xf32>
    %slice3A_15 = vector.extract_strided_slice %mul3A {offsets = [0, 16], sizes = [2048, 16], strides = [1, 1]} : vector<2048x32xf32> to vector<2048x16xf32>
    %add3A = arith.addf %slice3A, %slice3A_15 : vector<2048x16xf32>
    %slice3A_16 = vector.extract_strided_slice %add3A {offsets = [0, 0], sizes = [2048, 8], strides = [1, 1]} : vector<2048x16xf32> to vector<2048x8xf32>
    %slice3A_17 = vector.extract_strided_slice %add3A {offsets = [0, 8], sizes = [2048, 8], strides = [1, 1]} : vector<2048x16xf32> to vector<2048x8xf32>
    %add3A_18 = arith.addf %slice3A_16, %slice3A_17 : vector<2048x8xf32>
    %slice3A_19 = vector.extract_strided_slice %add3A_18 {offsets = [0, 0], sizes = [2048, 4], strides = [1, 1]} : vector<2048x8xf32> to vector<2048x4xf32>
    %slice3A_20 = vector.extract_strided_slice %add3A_18 {offsets = [0, 4], sizes = [2048, 4], strides = [1, 1]} : vector<2048x8xf32> to vector<2048x4xf32>
    %add3A_21 = arith.addf %slice3A_19, %slice3A_20 : vector<2048x4xf32>
    %slice3A_22 = vector.extract_strided_slice %add3A_21 {offsets = [0, 0], sizes = [2048, 2], strides = [1, 1]} : vector<2048x4xf32> to vector<2048x2xf32>
    %slice3A_23 = vector.extract_strided_slice %add3A_21 {offsets = [0, 2], sizes = [2048, 2], strides = [1, 1]} : vector<2048x4xf32> to vector<2048x2xf32>
    %add3A_24 = arith.addf %slice3A_22, %slice3A_23 : vector<2048x2xf32>
    %slice3A_25 = vector.extract_strided_slice %add3A_24 {offsets = [0, 0], sizes = [2048, 1], strides = [1, 1]} : vector<2048x2xf32> to vector<2048x1xf32>
    %slice3A_26 = vector.extract_strided_slice %add3A_24 {offsets = [0, 1], sizes = [2048, 1], strides = [1, 1]} : vector<2048x2xf32> to vector<2048x1xf32>
    %add3A_27 = arith.addf %slice3A_25, %slice3A_26 : vector<2048x1xf32>
    %sqrt3A = math.sqrt %add3A_27 : vector<2048x1xf32>
    %mul3A_28 = arith.mulf %sub3A_14, %sub3A_14 : vector<2048x32xf32>
    %slice3A_29 = vector.extract_strided_slice %mul3A_28 {offsets = [0, 0], sizes = [2048, 16], strides = [1, 1]} : vector<2048x32xf32> to vector<2048x16xf32>
    %slice3A_30 = vector.extract_strided_slice %mul3A_28 {offsets = [0, 16], sizes = [2048, 16], strides = [1, 1]} : vector<2048x32xf32> to vector<2048x16xf32>
    %add3A_31 = arith.addf %slice3A_29, %slice3A_30 : vector<2048x16xf32>
    %slice3A_32 = vector.extract_strided_slice %add3A_31 {offsets = [0, 0], sizes = [2048, 8], strides = [1, 1]} : vector<2048x16xf32> to vector<2048x8xf32>
    %slice3A_33 = vector.extract_strided_slice %add3A_31 {offsets = [0, 8], sizes = [2048, 8], strides = [1, 1]} : vector<2048x16xf32> to vector<2048x8xf32>
    %add3A_34 = arith.addf %slice3A_32, %slice3A_33 : vector<2048x8xf32>
    %slice3A_35 = vector.extract_strided_slice %add3A_34 {offsets = [0, 0], sizes = [2048, 4], strides = [1, 1]} : vector<2048x8xf32> to vector<2048x4xf32>
    %slice3A_36 = vector.extract_strided_slice %add3A_34 {offsets = [0, 4], sizes = [2048, 4], strides = [1, 1]} : vector<2048x8xf32> to vector<2048x4xf32>
    %add3A_37 = arith.addf %slice3A_35, %slice3A_36 : vector<2048x4xf32>
    %slice3A_38 = vector.extract_strided_slice %add3A_37 {offsets = [0, 0], sizes = [2048, 2], strides = [1, 1]} : vector<2048x4xf32> to vector<2048x2xf32>
    %slice3A_39 = vector.extract_strided_slice %add3A_37 {offsets = [0, 2], sizes = [2048, 2], strides = [1, 1]} : vector<2048x4xf32> to vector<2048x2xf32>
    %add3A_40 = arith.addf %slice3A_38, %slice3A_39 : vector<2048x2xf32>
    %slice3A_41 = vector.extract_strided_slice %add3A_40 {offsets = [0, 0], sizes = [2048, 1], strides = [1, 1]} : vector<2048x2xf32> to vector<2048x1xf32>
    %slice3A_42 = vector.extract_strided_slice %add3A_40 {offsets = [0, 1], sizes = [2048, 1], strides = [1, 1]} : vector<2048x2xf32> to vector<2048x1xf32>
    %add3A_43 = arith.addf %slice3A_41, %slice3A_42 : vector<2048x1xf32>
    %sqrt3A_44 = math.sqrt %add3A_43 : vector<2048x1xf32>
    %lt3A = arith.cmpf olt, %sqrt3A, %sqrt3A_44 : vector<2048x1xf32>
    %eq3A = arith.cmpf oeq, %sqrt3A, %sqrt3A_44 : vector<2048x1xf32>
    %lt3A_45 = arith.cmpi slt, %get3A_10, %get3A_13 : vector<2048x1xi32>
    %and3A = arith.andi %eq3A, %lt3A_45 : vector<2048x1xi1>
    %or3A = arith.ori %lt3A, %and3A : vector<2048x1xi1>
    %select_n3A = arith.select %or3A, %get3A_10, %get3A_13 : vector<2048x1xi1>, vector<2048x1xi32>
    %swap3A = arith.constant 0 : index
    %swap3A_46 = arith.constant 0 : index
    %swap3A_47 = vector.load %arg6[%swap3A, %swap3A_46] : memref<2048x1xi32, #tpu.memory_space<vmem>>, vector<2048x1xi32>
    tpu.vector_store %arg6[%swap3A, %swap3A_46], %select_n3A {strides = array<i32>} : memref<2048x1xi32, #tpu.memory_space<vmem>>, vector<2048x1xi32>,
    %broadcast_in_dim3A = vector.shape_cast %or3A : vector<2048x1xi1> to vector<2048x1xi1>
    %broadcast_in_dim3A_48 = vector.broadcast %broadcast_in_dim3A : vector<2048x1xi1> to vector<2048x32xi1>
    %select_n3A_49 = arith.select %broadcast_in_dim3A_48, %sub3A, %sub3A_14 : vector<2048x32xi1>, vector<2048x32xf32>
    %swap3A_50 = arith.constant 0 : index
    %swap3A_51 = arith.constant 0 : index
    %swap3A_52 = vector.load %arg7[%swap3A_50, %swap3A_51] : memref<2048x32xf32, #tpu.memory_space<vmem>>, vector<2048x32xf32>
    tpu.vector_store %arg7[%swap3A_50, %swap3A_51], %select_n3A_49 {strides = array<i32>} : memref<2048x32xf32, #tpu.memory_space<vmem>>, vector<2048x32xf32>,
    return
  }
  func.func @transform_0(%arg0: i32) -> (i32, i32) {
    %c0_i32 = arith.constant 0 : i32
    %c0_i32_0 = arith.constant 0 : i32
    return %arg0, %c0_i32 : i32, i32
  }
  func.func @transform_1(%arg0: i32) -> (i32, i32) {
    %c0_i32 = arith.constant 0 : i32
    %c0_i32_0 = arith.constant 0 : i32
    return %arg0, %c0_i32 : i32, i32
  }
  func.func @transform_2(%arg0: i32) -> (i32, i32) {
    %c0_i32 = arith.constant 0 : i32
    %c0_i32_0 = arith.constant 0 : i32
    return %arg0, %c0_i32 : i32, i32
  }
  func.func @transform_3(%arg0: i32) -> (i32, i32) {
    %c0_i32 = arith.constant 0 : i32
    %c0_i32_0 = arith.constant 0 : i32
    return %arg0, %c0_i32 : i32, i32
  }
  func.func @transform_4(%arg0: i32) -> (i32, i32) {
    %c0_i32 = arith.constant 0 : i32
    %c0_i32_0 = arith.constant 0 : i32
    return %arg0, %c0_i32 : i32, i32
  }
  func.func @transform_5(%arg0: i32) -> (i32, i32) {
    %c0_i32 = arith.constant 0 : i32
    %c0_i32_0 = arith.constant 0 : i32
    return %arg0, %c0_i32 : i32, i32
  }
  func.func @transform_6(%arg0: i32) -> (i32, i32) {
    %c0_i32 = arith.constant 0 : i32
    %c0_i32_0 = arith.constant 0 : i32
    return %arg0, %c0_i32 : i32, i32
  }
}

</mosaic_0001>

<sc_bundles>
// kernel: kernel.5.cloned.1.call-start
scs
__scs_entry_jumppad:
0x0: {  	(pc) =	sbr.rel $0x88, $3  }
0x1: {  	(tag) =	ssettag $0x0;
	lr =	simm.s32 $0x1  }
0x2: {  	[smem:$0x3F9F] =	sst lr;
	_ =	strace $0xD0000000  }
0x3: {  	_ = 	snop  }
0x4: {  	_ = 	snop  }
0x5: {  	_ = 	snop  }
0x6: {  	_ = 	snop  }
0x7: {  	_ = 	snop  }
__scs_overlays_trampoline_lowered:
0x8: {  	[smem:$0x3FAE] =	sst s0  }
0x9: {  	[smem:$0x3FAF] =	sst s1  }
0xa: {  	[smem:$0x3FB0] =	sst s2  }
0xb: {  	[smem:$0x3FB1] =	sst s3  }
0xc: {  	[smem:$0x3FB2] =	sst s4  }
0xd: {  	[smem:$0x3FB3] =	sst s5  }
0xe: {  	[smem:$0x3FB4] =	sst s6  }
0xf: {  	[smem:$0x3FB5] =	sst s7  }
0x10: {  	[smem:$0x3FB6] =	sst s8  }
0x11: {  	[smem:$0x3FB7] =	sst s9;
	s0 =	simm.s32 @!p0 $0x0  }
0x12: {  	s1 =	sld [smem:$0x3F9D];
	s0 =	simm.s32 @p0 $0x1  }
0x13: {  	[smem:$0x3FB8] =	sst s0;
	s0 =	simm.s32 @!p1 $0x0  }
0x14: {  	s2 =	sld [smem:$0x3F9C];
	s0 =	simm.s32 @p1 $0x1  }
0x15: {  	[smem:$0x3FB9] =	sst s0;
	s0 =	simm.s32 @!p2 $0x0  }
0x16: {  	s3 =	sld [smem:$0x3FDB];
	s0 =	simm.s32 @p2 $0x1  }
0x17: {  	s4 =	simm.s32 $0x1BF5;
	[smem:$0x3FBB] =	sst s0  }
0x18: {  	s0 =	sld [smem:$0x3F9E];
	_ =	swait.ge [sflag:s4], $0x0  }
0x19: {  	s7 =	sld [smem:$0x3F9F]  }
0x1a: {  	s8 =	sadd.s32 $0xFFFFE003, lr  }
0x1b: {  	s9 =	sadd.s32 $0xFFFFFEF7, lr;
	s5 =	simm.s32 $0xFFFFFFFF;
	p2 =	slt.u32 s8, $0xFFFFF086  }
0x1c: {  	p1 =	slt.u32 s9, $0xF7A;
	s5 =	simm.s32 @!p2 $0x0  }
0x1d: {  	s5 =	simm.s32 @p1 $0x1;
	p0 =	seq.s32 s7, s2  }
0x1e: {  	s7 =	smul.u32 @!p0 $0xF7A, s2;
	p2 =	seq.s32 @!p0 s5, $0x0  }
0x1f: {  	s9 =	smul.u32 $0xF7A, s1;
	s8 =	simm.s32 @!p0 $0x1BF5;
	p2 =	por !p2, p0  }
0x20: {  	[sflag:s8] =	ssyncset.s32 @!p0 $0xFFFFF086;
	s6 =	sadd.s32 @!p0 s3, s7;
	s7 =	simm.s32 @!p0 $0x108  }
0x21: {  	s3 =	sadd.s32 s3, s9;
	s6 =	sadd.s32 @!p0 $0x88, s6;
	s7 =	simm.s32 @p2 $0x1082  }
0x22: {  	[simem:s7], [sflag:s8] =	dma.local @!p0 [hbm:s6], $0xF7A  }
0x23: {  	s9 =	sor.u32 $0xD0000000, s2;
	s6 =	simm.s32 $0x108;
	_ =	swait.ge @!p0 [sflag:s8], $0x0  }
0x24: {  	s3 =	sadd.s32 $0x88, s3;
	s6 =	simm.s32 @!p1 $0x1082;
	[sflag:s4] =	ssyncset.s32 $0xFFFFF086  }
0x25: {  	[simem:s6], [sflag:s4] =	dma.local [hbm:s3], $0xF7A  }
0x26: {  	[smem:$0x3F9F] =	sst s1;
	(tag) =	ssettag s2;
	_ =	strace s9  }
0x27: {  	s1 =	sld [smem:$0x3FAF]  }
0x28: {  	s2 =	sld [smem:$0x3FB0]  }
0x29: {  	s4 =	sld [smem:$0x3FB2]  }
0x2a: {  	p0 =	seq.s32 s5, $0x0;
	s5 =	sld [smem:$0x3FB3]  }
0x2b: {  	s6 =	sld [smem:$0x3FB4]  }
0x2c: {  	s7 =	sld [smem:$0x3FB5]  }
0x2d: {  	s3 =	simm.s32 $0x108;
	s8 =	sld [smem:$0x3FB6]  }
0x2e: {  	s3 =	simm.s32 @!p0 $0x1082;
	s9 =	sld [smem:$0x3FB7]  }
0x2f: {  	lr =	sadd.s32 s0, s3;
	s0 =	sld [smem:$0x3FAE]  }
0x30: {  	s3 =	sld [smem:$0x3FB1]  }
0x31: {  	[smem:$0x3FBA] =	sst s10  }
0x32: {  	s10 =	sld [smem:$0x3FB8];
	_ =	sdelay $0x3  }
0x33: {  	p0 =	seq.s32 s10, $0x1;
	s10 =	sld [smem:$0x3FBA];
	_ =	sdelay $0x3  }
0x34: {  	[smem:$0x3FBA] =	sst s10  }
0x35: {  	s10 =	sld [smem:$0x3FB9];
	_ =	sdelay $0x3  }
0x36: {  	p1 =	seq.s32 s10, $0x1;
	s10 =	sld [smem:$0x3FBA];
	_ =	sdelay $0x3  }
0x37: {  	[smem:$0x3FBA] =	sst s10  }
0x38: {  	s10 =	sld [smem:$0x3FBB]  }
0x39: {  	_ = 	snop;
	(pc) =	sbr.ind lr, $3  }
0x3a: {  	_ = 	snop  }
0x3b: {  	_ = 	snop  }
0x3c: {  	p2 =	seq.s32 s10, $0x1;
	s10 =	sld [smem:$0x3FBA]  }
0x3d: {  	_ =	shalt  }
0x3e: {  	_ =	shalt  }
0x3f: {  	_ =	shalt  }
0x40: {  	_ =	shalt  }
0x41: {  	_ =	shalt  }
0x42: {  	_ =	shalt  }
0x43: {  	_ =	shalt  }
0x44: {  	_ =	shalt  }
0x45: {  	_ =	shalt  }
0x46: {  	_ =	shalt  }
0x47: {  	_ =	shalt  }
0x48: {  	_ =	shalt  }
0x49: {  	_ =	shalt  }
0x4a: {  	_ =	shalt  }
0x4b: {  	_ =	shalt  }
0x4c: {  	_ =	shalt  }
0x4d: {  	_ =	shalt  }
0x4e: {  	_ =	shalt  }
0x4f: {  	_ =	shalt  }
0x50: {  	_ =	shalt  }
0x51: {  	_ =	shalt  }
0x52: {  	_ =	shalt  }
0x53: {  	_ =	shalt  }
0x54: {  	_ =	shalt  }
0x55: {  	_ =	shalt  }
0x56: {  	_ =	shalt  }
0x57: {  	_ =	shalt  }
0x58: {  	_ =	shalt  }
0x59: {  	_ =	shalt  }
0x5a: {  	_ =	shalt  }
0x5b: {  	_ =	shalt  }
0x5c: {  	_ =	shalt  }
0x5d: {  	_ =	shalt  }
0x5e: {  	_ =	shalt  }
0x5f: {  	_ =	shalt  }
0x60: {  	_ =	shalt  }
0x61: {  	_ =	shalt  }
0x62: {  	_ =	shalt  }
0x63: {  	_ =	shalt  }
0x64: {  	_ =	shalt  }
0x65: {  	_ =	shalt  }
0x66: {  	_ =	shalt  }
0x67: {  	_ =	shalt  }
0x68: {  	_ =	shalt  }
0x69: {  	_ =	shalt  }
0x6a: {  	_ =	shalt  }
0x6b: {  	_ =	shalt  }
0x6c: {  	_ =	shalt  }
0x6d: {  	_ =	shalt  }
0x6e: {  	_ =	shalt  }
0x6f: {  	_ =	shalt  }
0x70: {  	_ =	shalt  }
0x71: {  	_ =	shalt  }
0x72: {  	_ =	shalt  }
0x73: {  	_ =	shalt  }
0x74: {  	_ =	shalt  }
0x75: {  	_ =	shalt  }
0x76: {  	_ =	shalt  }
0x77: {  	_ =	shalt  }
0x78: {  	_ =	shalt  }
0x79: {  	_ =	shalt  }
0x7a: {  	_ =	shalt  }
0x7b: {  	_ =	shalt  }
0x7c: {  	_ =	shalt  }
0x7d: {  	_ =	shalt  }
0x7e: {  	_ =	shalt  }
0x7f: {  	_ =	shalt  }
0x80: {  	_ =	shalt  }
0x81: {  	_ =	shalt  }
0x82: {  	_ =	shalt  }
0x83: {  	_ =	shalt  }
0x84: {  	_ =	shalt  }
0x85: {  	_ =	shalt  }
0x86: {  	_ =	shalt  }
0x87: {  	_ =	shalt  }
.Lfunc_end0:
.L_simem_size_0:
called_computation_lowered:
.L_overlay_start_0:
0x88: {  	s2 =	sld [smem:$0x3FD9]  }
0x89: {  	s3 =	sld [smem:$0x3FFE];
	_ =	sdelay $0x1  }
0x8a: {  	s1 =	srdreg.scid  }
0x8b: {  	s0 =	sand.u32 $0x1, s1  }
0x8c: {  	s14 =	sshll.u32 s0, $0xA;
	s2 =	sadd.s32 s3, s2  }
0x8d: {  	s2 =	sadd.s32 s2, s14  }
0x8e: {  	[smem:$0x3FC6] =	sst s2  }
0x8f: {  	_ = 	snop  }
0x90: {  	s2 =	sld [smem:$0x3FD0];
	_ =	sdelay $0x2  }
0x91: {  	s15 =	simm.s32 $0xA;
	s4 =	simm.s32 $0x10  }
0x92: {  	[smem:s4], [sflag:s15] =	dma.local [hbm:s2], $0x1  }
0x93: {  	_ =	swait.eq [sflag:s15], $0x1  }
0x94: {  	[sflag:s15] =	ssyncset.done $0x0  }
0x95: {  	s16 =	sld [smem:$0x10];
	[sflag:s15] =	ssyncadd.s32 $0xFFFFFFFF  }
0x96: {  	s17 =	sld [smem:$0x11];
	(tm) =	ssettm $0x1  }
0x97: {  	s18 =	sld [smem:$0x3FFB];
	_ =	sdelay $0x3  }
0x98: {  	_ =	strace s18  }
0x99: {  	s4 =	sld [smem:$0x3FFC];
	_ =	sdelay $0x3  }
0x9a: {  	_ =	strace s4  }
0x9b: {  	s4 =	sld [smem:$0x3FFD];
	_ =	sdelay $0x3  }
0x9c: {  	_ =	strace s4  }
0x9d: {  	_ =	strace $0x8FFFFFFF  }
0x9e: {  	s19 =	sld [smem:$0x3FDB];
	_ =	sdelay $0x1  }
0x9f: {  	s5 =	simm.s32 $_scs_section_size  }
0xa0: {  	s6 =	simm.s32 $_size__tile_overlayer_lowered;
	s7 =	simm.s32 $_tile_overlayer_lowered  }
0xa1: {  	s22 =	simm.s32 $0x1BFF;
	s21 =	sshll.u32 s7, $0x1;
	s4 =	sadd.s32 s5, s19  }
0xa2: {  	s8 =	simm.s32 $0x0;
	s20 =	sshll.u32 s6, $0x1;
	s6 =	sadd.s32 s21, s4  }
0xa3: {  	[timem:s8], [sflag:s22] =	dma.local [hbm:s6], s20  }
0xa4: {  	_ =	swait.ge [sflag:s22], s20  }
0xa5: {  	s5 =	ssub.s32 $0x0, s20;
	[sflag:s22] =	ssyncset.done $0x0  }
0xa6: {  	[sflag:s22] =	ssyncadd.s32 s5;
	_ =	sdelay $0x1  }
0xa7: {  	s23 =	simm.s32 $0x1B8B  }
0xa8: {  	_ =	swait.ge [sflag:s23], $0x1  }
0xa9: {  	[sflag:s23] =	ssyncset.done $0x0  }
0xaa: {  	s25 =	simm.s32 $0x1B8E;
	s24 =	sld [smem:$0x3FFE];
	[sflag:s23] =	ssyncadd.s32 $0xFFFFFFFF  }
0xab: {  	s26 =	simm.s32 $execute0_lowered;
	[smem:$0x3FD2] =	sst s25  }
0xac: {  	s6 =	sshll.u32 s26, $0x1;
	_ =	strace $0x80000046;
	[dreg:$0x1] =	wrdreg $0xFFFFFFFF  }
0xad: {  	s28 =	simm.s32 $_size_execute0_lowered;
	s4 =	sadd.s32 s4, s6;
	[dreg:$0x0] =	wrdreg $0x0  }
0xae: {  	s6 =	sshll.u32 s28, $0x1;
	[dreg:$0x2] =	wrdreg s4  }
0xaf: {  	[dreg:$0x3] =	wrdreg s6  }
0xb0: {  	[dreg:$0x4] =	wrdreg $0xC0  }
0xb1: {  	_ =	task [dreg:s8], $0x5FFFF  }
0xb2: {  	[dreg:$0x1] =	wrdreg $0xFFFFFFFF  }
0xb3: {  	[dreg:$0x0] =	wrdreg $0x60  }
0xb4: {  	[dreg:$0x2] =	wrdreg s24  }
0xb5: {  	[dreg:$0x3] =	wrdreg s16  }
0xb6: {  	[dreg:$0x4] =	wrdreg s17  }
0xb7: {  	[dreg:$0x5] =	wrdreg $0x9  }
0xb8: {  	_ =	task.clear_ibuf [dreg:s8], $0x6FFFF;
	_ =	strace $0x90000046  }
0xb9: {  	s29 =	simm.s32 $0x9;
	_ =	strace $0x80000048  }
0xba: {  	_ =	swait.ge [sflag:s29], $0x1  }
0xbb: {  	[sflag:s29] =	ssyncadd.s32 $0xFFFFFFFF  }
0xbc: {  	_ =	strace $0x90000048  }
0xbd: {  	_ =	sfence  }
0xbe: {  	s30 =	sld [smem:$0x0];
	_ =	sdelay $0x2  }
0xbf: {  	s31 =	sshll.u32 s1, $0xD;
	s1 =	sshrl.u32 s1, $0x2  }
0xc0: {  	s3 =	sand.u32 $0x4000, s31;
	s1 =	sadd.s32 s1, s30  }
0xc1: {  	s0 =	sor.u32 s3, s0;
	s1 =	sshll.u32 s1, $0x11  }
0xc2: {  	s0 =	sor.u32 s1, s0  }
0xc3: {  	s0 =	sadd.s32 $0x8F2B, s0  }
0xc4: {  	[sflag:s0] =	ssyncadd.remote.s32 $0x1  }
0xc5: {  	_ =	sfence.sel $0xFFFF  }
0xc6: {  	[dreg:$0x0] =	wrdreg $0xFFFFFFFF;
	(pc) =	sbr.abs _section_cstart, $3  }
0xc7: {  	[dreg:$0x1] =	wrdreg $0xFFFFFFFF  }
0xc8: {  	_ =	task.clear_ibuf [dreg:s8], $0x2FFFF;
	_ =	strace $0x9FFFFFFF  }
0xc9: {  	(tm) =	ssettm $0x7FFFFFFF  }
tec
execute0_lowered:
.L_overlay_start_1:
0x0: {  	(tag) =	ssettag $0x1  }
0x1: {  	s13 =	rddreg [dreg:$0x0];
	s1 =	srdreg.scid  }
0x2: {  	s3 =	rddreg [dreg:$0x1];
	s0 =	stileid.u32;
	s12 =	sand.u32 $0x1, s1  }
0x3: {  	s11 =	rddreg [dreg:$0x2];
	s4 =	sshll.u32 s0, $0xA;
	s5 =	sshll.u32 s12, $0x9  }
0x4: {  	s2 =	simm.s32 $0x0;
	s1 =	rddreg [dreg:$0x3];
	s14 =	sor.u32 s5, s4  }
0x5: {  	[smem:$0x7FF] =	sst s2;
	s5 =	sshrl.u32 s14, $0x3  }
0x6: {  	_ =	strace $0x80000047;
	s4 =	sadd.s32 s3, s5;
	s3 =	simm.s32 $0x3  }
0x7: {  	[tilespmem:s2], [sflag:$0x3] =	stream.linear.gather [hbm4b:s4+s2], $0x200, $0x38;
	[tilespmem:$0x8400] =	vst v63  }
0x8: {  	_ =	swait.ge [sflag:s3], $0x200  }
0x9: {  	s5 =	sadd.s32 s5, s13;
	[sflag:s3] =	ssyncset.done $0x0  }
0xa: {  	s6 =	simm.s32 $0x200;
	s5 =	sadd.s32 $0xC8400, s5;
	[sflag:s3] =	ssyncadd.s32 $0xFFFFFE00  }
0xb: {  	[tilespmem:s6], [sflag:$0x3] =	stream.linear.gather [hbm4b:s5+s2], $0x200, $0x38;
	[tilespmem:$0x8400] =	vst v63  }
0xc: {  	_ =	swait.ge [sflag:s3], $0x200  }
0xd: {  	[sflag:s3] =	ssyncset.done $0x0  }
0xe: {  	s8 =	simm.s32 $0x400;
	s7 =	sadd.s32 $0x400, s13;
	[sflag:s3] =	ssyncadd.s32 $0xFFFFFE00  }
0xf: {  	[tilespmem:s8], [sflag:$0x1] =	stream.indirect.gather [hbm4b:s7+s6], $0x20, s2, s6, $0xb8;
	[tilespmem:$0x8400] =	vst v63  }
0x10: {  	s9 =	simm.s32 $0x4400;
	s10 =	simm.s32 $0x1  }
0x11: {  	[tilespmem:s9], [sflag:$0x2] =	stream.indirect.gather [hbm4b:s7+s6], $0x20, s6, s6, $0xb8;
	[tilespmem:$0x8400] =	vst v63  }
0x12: {  	_ =	swait.ge [sflag:s10], $0x4000  }
0x13: {  	s14 =	sshll.u32 s14, $0x2;
	[sflag:s10] =	ssyncset.done $0x0  }
0x14: {  	s15 =	ssub.s32 $0x2, s12;
	s11 =	sadd.s32 s11, s14;
	[sflag:s10] =	ssyncadd.s32 $0xFFFFC000  }
0x15: {  	[hbm4b:s11+s2] =	stream.linear.scatter [tilespmem:s8], [sflag:$0x3], $0x4000, $0x38;
	[tilespmem:$0x8400] =	vst v63  }
0x16: {  	s16 =	sshrl.u32 s15, $0x1;
	_ =	swait.ge [sflag:s3], $0x4000  }
0x17: {  	s12 =	simm.s32 $0x2;
	s31 =	ssub.s32 s15, s16;
	[sflag:s3] =	ssyncset.done $0x0  }
0x18: {  	s13 =	sadd.s32 s14, s13;
	s14 =	smax.u32 s31, $0x1;
	[sflag:s3] =	ssyncadd.s32 $0xFFFFC000  }
0x19: {  	p0 =	sne.s32 s14, $0x1;
	_ =	swait.ge [sflag:s12], $0x4000  }
.Ltmp0:
0x1a: {  	[sflag:s12] =	ssyncset.done $0x0;
	(pc) =	sbr.rel @!p0 .LBB2_2-.Ltmp0, $4  }
0x1b: {  	s13 =	sadd.s32 $0xC8C00, s13;
	[sflag:s12] =	ssyncadd.s32 $0xFFFFC000  }
0x1c: {  	[hbm4b:s13+s2] =	stream.linear.scatter [tilespmem:s9], [sflag:$0x3], $0x4000, $0x38;
	[tilespmem:$0x8400] =	vst v63  }
0x1d: {  	_ =	swait.ge [sflag:s3], $0x4000  }
0x1e: {  	s14 =	sadd.s32 $0xFFFFFFFF, s14;
	[sflag:s3] =	ssyncset.done $0x0  }
.LBB2_1:
0x1f: {  	p0 =	sne.s32 s14, $0x1;
	s14 =	sadd.s32 $0xFFFFFFFF, s14;
	[sflag:s3] =	ssyncadd.s32 $0xFFFFC000  }
0x20: {  	[tilespmem:s2], [sflag:$0x3] =	stream.linear.gather [hbm4b:s4+s2], $0x200, $0x38;
	[tilespmem:$0x8400] =	vst v63  }
0x21: {  	_ =	swait.ge [sflag:s3], $0x200  }
0x22: {  	[sflag:s3] =	ssyncset.done $0x0  }
0x23: {  	[sflag:s3] =	ssyncadd.s32 $0xFFFFFE00  }
0x24: {  	[tilespmem:s6], [sflag:$0x3] =	stream.linear.gather [hbm4b:s5+s2], $0x200, $0x38;
	[tilespmem:$0x8400] =	vst v63  }
0x25: {  	_ =	swait.ge [sflag:s3], $0x200  }
0x26: {  	[sflag:s3] =	ssyncset.done $0x0  }
0x27: {  	[sflag:s3] =	ssyncadd.s32 $0xFFFFFE00  }
0x28: {  	[tilespmem:s8], [sflag:$0x1] =	stream.indirect.gather [hbm4b:s7+s6], $0x20, s2, s6, $0xb8;
	[tilespmem:$0x8400] =	vst v63  }
0x29: {  	_ = 	snop  }
0x2a: {  	[tilespmem:s9], [sflag:$0x2] =	stream.indirect.gather [hbm4b:s7+s6], $0x20, s6, s6, $0xb8;
	[tilespmem:$0x8400] =	vst v63  }
0x2b: {  	_ =	swait.ge [sflag:s10], $0x4000  }
0x2c: {  	[sflag:s10] =	ssyncset.done $0x0  }
0x2d: {  	[sflag:s10] =	ssyncadd.s32 $0xFFFFC000  }
0x2e: {  	[hbm4b:s11+s2] =	stream.linear.scatter [tilespmem:s8], [sflag:$0x3], $0x4000, $0x38;
	[tilespmem:$0x8400] =	vst v63  }
0x2f: {  	_ =	swait.ge [sflag:s3], $0x4000  }
0x30: {  	[sflag:s3] =	ssyncset.done $0x0  }
0x31: {  	[sflag:s3] =	ssyncadd.s32 $0xFFFFC000  }
0x32: {  	_ =	swait.ge [sflag:s12], $0x4000  }
.Ltmp1:
0x33: {  	[sflag:s12] =	ssyncset.done $0x0;
	(pc) =	sbr.rel @p0 .LBB2_1-.Ltmp1, $4  }
0x34: {  	[sflag:s12] =	ssyncadd.s32 $0xFFFFC000  }
0x35: {  	[hbm4b:s13+s2] =	stream.linear.scatter [tilespmem:s9], [sflag:$0x3], $0x4000, $0x38;
	[tilespmem:$0x8400] =	vst v63  }
0x36: {  	_ =	swait.ge [sflag:s3], $0x4000  }
0x37: {  	[sflag:s3] =	ssyncset.done $0x0  }
.LBB2_2:
0x38: {  	[sflag:s3] =	ssyncadd.s32 $0xFFFFC000  }
0x39: {  	_ =	sfence.sel $0x180000  }
0x3a: {  	[bflag:$0x0] =	sbarrier.arrive $0xFFFF  }
0x3b: {  	p0 =	sne.s32 s0, $0x0;
	_ =	strace $0x90000047  }
0x3c: {  	s0 =	sadd.s32 @!p0 $0x100000, s1;
	[bflag:$0x2] =	sbarrier.arrive $0xFFFF  }
0x3d: {  	[sflag:s0] =	ssyncadd.tile.s32 @!p0 $0x1;
	_ =	shalt  }
.Lfunc_end2:
_tile_overlayer_lowered:
.L_overlay_start_2:
0x3e: {  	(tag) =	ssettag $0x2  }
0x3f: {  	s0 =	rddreg [dreg:$0x0];
	s2 =	stileid.u32  }
0x40: {  	s1 =	rddreg [dreg:$0x1];
	p0 =	sne.s32 s2, $0x0  }
0x41: {  	s3 =	rddreg [dreg:$0x2];
	[bflag:$0x3] =	sbarrier.arrive $0xFFFF;
	s2 =	simm.s32 @!p0 $0x1C03  }
0x42: {  	[timem:s3], [sflag:s2] =	dma.local @!p0 [hbm:s0], s1  }
0x43: {  	s0 =	simm.s32 @!p0 $0x3  }
0x44: {  	_ =	swait.ge @!p0 [sflag:s0], s1  }
0x45: {  	s1 =	ssub.s32 @!p0 $0x0, s1;
	[sflag:s0] =	ssyncset.done @!p0 $0x0  }
0x46: {  	[sflag:s0] =	ssyncadd.s32 @!p0 s1  }
0x47: {  	[bflag:$0x3] =	sbarrier.arrive $0xFFFF  }
0x48: {  	_ =	shalt  }

</sc_bundles>
